<compile_context>
chip_gen: v7x
topology: tpu7x:2x2x1
jax: 0.10.2.dev20260603
libtpu: 0.0.44.dev20260713+nightly
codegen_flags: <defaults>
</compile_context>

<pallas_src>
import functools

import jax
import jax.numpy as jnp
from jax import lax
from jax.experimental import pallas as pl
from jax.experimental.pallas import tpu as pltpu
from jax.experimental.pallas import tpu_sc as plsc

N_NODES = 10000
D = 128
E = 320000

NC = 2
NS = 16
NW = NC * NS
EPT = E // NW
K = 128
FULL = EPT // K
TAIL = EPT - FULL * K
ZB = 1000
NZ = N_NODES // ZB

_MESH = plsc.VectorSubcoreMesh(core_axis_name="c", subcore_axis_name="s")


NCH = 80
EPP = NCH * K
PAD = EPP - EPT
NPAD = N_NODES + K
QD = 8


def _deg_body(col3_hbm, ones_hbm, zeros_hbm, degp_hbm, cidx_v, ones_v,
              stage_v, deg_sh, sem):
    cid = lax.axis_index("c")
    sid = lax.axis_index("s")
    wid = cid * NS + sid

    @pl.when(sid < NZ)
    def _():
        pltpu.sync_copy(zeros_hbm, stage_v)
        pltpu.sync_copy(stage_v, deg_sh.at[pl.ds(sid * ZB, ZB)])

    @pl.when(sid == NZ)
    def _():
        pltpu.sync_copy(zeros_hbm.at[pl.ds(0, K)], stage_v.at[pl.ds(0, K)])
        pltpu.sync_copy(stage_v.at[pl.ds(0, K)],
                        deg_sh.at[pl.ds(N_NODES, K)])

    pltpu.sync_copy(ones_hbm, ones_v)
    pltpu.sync_copy(col3_hbm.at[wid], cidx_v)
    plsc.subcore_barrier()

    def body(c, carry):
        pltpu.async_copy(ones_v, deg_sh.at[cidx_v.at[c]], sem, add=True)

        @pl.when(c >= QD)
        def _():
            pltpu.make_async_copy(ones_v, deg_sh.at[cidx_v.at[c - QD]],
                                  sem).wait()

        return carry

    lax.fori_loop(0, NCH, body, 0)

    def drain(c, carry):
        pltpu.make_async_copy(ones_v, deg_sh.at[cidx_v.at[c]], sem).wait()
        return carry

    lax.fori_loop(NCH - QD, NCH, drain, 0)

    plsc.subcore_barrier()

    @pl.when(sid < NZ)
    def _():
        pltpu.sync_copy(deg_sh.at[pl.ds(sid * ZB, ZB)], stage_v)
        pltpu.sync_copy(stage_v,
                        degp_hbm.at[pl.ds(cid * N_NODES + sid * ZB, ZB)])


_deg_call = pl.kernel(
    _deg_body,
    out_type=jax.ShapeDtypeStruct((NC * N_NODES,), jnp.float32),
    mesh=_MESH,
    scratch_types=[
        pltpu.VMEM((NCH, K), jnp.int32),
        pltpu.VMEM((K,), jnp.float32),
        pltpu.VMEM((ZB,), jnp.float32),
        pltpu.VMEM_SHARED((NPAD,), jnp.float32),
        pltpu.SemaphoreType.DMA,
    ],
)


WB = 40


def _acc_body(g_hbm, row_hbm, col_hbm, zrows_hbm, accp_hbm, ridx_a, cidx_a,
              ridx_b, cidx_b, ridx_c, cidx_c, ridx_t, cidx_t, rows_a,
              rows_b, rows_c, acc_sh, g_a, g_b, g_c, i_a, i_b, i_c):
    cid = lax.axis_index("c")
    sid = lax.axis_index("s")
    base = (cid * NS + sid) * EPT

    @pl.when(sid < NZ)
    def _():
        pltpu.sync_copy(zrows_hbm, rows_a.at[pl.ds(0, WB)])

        def zbody(j, carry):
            pltpu.sync_copy(rows_a.at[pl.ds(0, WB)],
                            acc_sh.at[pl.ds(sid * ZB + j * WB, WB)])
            return carry

        lax.fori_loop(0, ZB // WB, zbody, 0)

    plsc.subcore_barrier()

    def load_idx(c, ridx, cidx):
        e0 = base + c * K
        pltpu.sync_copy(row_hbm.at[pl.ds(e0, K)], ridx)
        pltpu.sync_copy(col_hbm.at[pl.ds(e0, K)], cidx)

    def fire_idx(c, ridx, cidx, sem):
        e0 = base + c * K
        pltpu.async_copy(row_hbm.at[pl.ds(e0, K)], ridx, sem)
        pltpu.async_copy(col_hbm.at[pl.ds(e0, K)], cidx, sem)

    def wait_idx(c, ridx, cidx, sem):
        e0 = base + c * K
        pltpu.make_async_copy(row_hbm.at[pl.ds(e0, K)], ridx, sem).wait()
        pltpu.make_async_copy(col_hbm.at[pl.ds(e0, K)], cidx, sem).wait()

    load_idx(0, ridx_a, cidx_a)
    load_idx(1, ridx_b, cidx_b)
    pltpu.async_copy(g_hbm.at[ridx_a], rows_a, g_a)
    pltpu.async_copy(g_hbm.at[ridx_b], rows_b, g_b)
    fire_idx(2, ridx_c, cidx_c, i_c)

    def step(a, rows_x, ridx_x, cidx_x, g_x, i_x,
             rows_z, ridx_z, cidx_z, g_z, i_z):
        pltpu.make_async_copy(g_hbm.at[ridx_x], rows_x, g_x).wait()

        @pl.when(a + 2 < FULL)
        def _():
            wait_idx(a + 2, ridx_z, cidx_z, i_z)
            pltpu.async_copy(g_hbm.at[ridx_z], rows_z, g_z)

        pltpu.sync_copy(rows_x, acc_sh.at[cidx_x], add=True)

        @pl.when(a + 3 < FULL)
        def _():
            fire_idx(a + 3, ridx_x, cidx_x, i_x)

    A = (rows_a, ridx_a, cidx_a, g_a, i_a)
    B = (rows_b, ridx_b, cidx_b, g_b, i_b)
    C = (rows_c, ridx_c, cidx_c, g_c, i_c)

    def body(i, carry):
        a = 3 * i
        step(a, *A, *C)
        step(a + 1, *B, *A)
        step(a + 2, *C, *B)
        return carry

    lax.fori_loop(0, FULL // 3, body, 0)
    e0 = base + FULL * K
    pltpu.sync_copy(row_hbm.at[pl.ds(e0, TAIL)], ridx_t)
    pltpu.sync_copy(col_hbm.at[pl.ds(e0, TAIL)], cidx_t)
    pltpu.async_copy(g_hbm.at[ridx_t], rows_a.at[pl.ds(0, TAIL)], g_a)
    pltpu.make_async_copy(g_hbm.at[ridx_t], rows_a.at[pl.ds(0, TAIL)],
                          g_a).wait()
    pltpu.sync_copy(rows_a.at[pl.ds(0, TAIL)], acc_sh.at[cidx_t], add=True)

    plsc.subcore_barrier()

    @pl.when(sid < NZ)
    def _():
        def wbody(j, carry):
            r0 = sid * ZB + j * WB
            pltpu.sync_copy(acc_sh.at[pl.ds(r0, WB)], rows_a.at[pl.ds(0, WB)])
            pltpu.sync_copy(rows_a.at[pl.ds(0, WB)],
                            accp_hbm.at[cid, pl.ds(r0, WB)])
            return carry

        lax.fori_loop(0, ZB // WB, wbody, 0)


_acc_call = pl.kernel(
    _acc_body,
    out_type=jax.ShapeDtypeStruct((NC, N_NODES, D), jnp.float32),
    mesh=_MESH,
    scratch_types=[
        pltpu.VMEM((K,), jnp.int32),
        pltpu.VMEM((K,), jnp.int32),
        pltpu.VMEM((K,), jnp.int32),
        pltpu.VMEM((K,), jnp.int32),
        pltpu.VMEM((K,), jnp.int32),
        pltpu.VMEM((K,), jnp.int32),
        pltpu.VMEM((TAIL,), jnp.int32),
        pltpu.VMEM((TAIL,), jnp.int32),
        pltpu.VMEM((K, D), jnp.float32),
        pltpu.VMEM((K, D), jnp.float32),
        pltpu.VMEM((K, D), jnp.float32),
        pltpu.VMEM_SHARED((N_NODES, D), jnp.float32),
        pltpu.SemaphoreType.DMA,
        pltpu.SemaphoreType.DMA,
        pltpu.SemaphoreType.DMA,
        pltpu.SemaphoreType.DMA,
        pltpu.SemaphoreType.DMA,
        pltpu.SemaphoreType.DMA,
    ],
)


BLK = 1000


def _lin_body(x_ref, w_ref, bl_ref, degp_ref, g_ref):
    deg = degp_ref[:, 0] + degp_ref[:, 1]
    dis = jnp.where(deg > 0.0, lax.rsqrt(deg), 0.0)
    h = jnp.dot(x_ref[...], w_ref[...].T,
                preferred_element_type=jnp.float32) + bl_ref[...]
    g_ref[...] = h * dis[:, None]


_lin_call = pl.pallas_call(
    _lin_body,
    grid=(N_NODES // BLK,),
    in_specs=[
        pl.BlockSpec((BLK, D), lambda i: (i, 0)),
        pl.BlockSpec((D, D), lambda i: (0, 0)),
        pl.BlockSpec((1, D), lambda i: (0, 0)),
        pl.BlockSpec((BLK, NC), lambda i: (i, 0)),
    ],
    out_specs=pl.BlockSpec((BLK, D), lambda i: (i, 0)),
    out_shape=jax.ShapeDtypeStruct((N_NODES, D), jnp.float32),
)


def _out_body(accp_ref, degp_ref, bias_ref, out_ref):
    acc = accp_ref[0] + accp_ref[1]
    deg = degp_ref[:, 0] + degp_ref[:, 1]
    dis = jnp.where(deg > 0.0, lax.rsqrt(deg), 0.0)
    out_ref[...] = jnp.maximum(acc * dis[:, None] + bias_ref[...], 0.0)


_out_call = pl.pallas_call(
    _out_body,
    grid=(N_NODES // BLK,),
    in_specs=[
        pl.BlockSpec((NC, BLK, D), lambda i: (0, i, 0)),
        pl.BlockSpec((BLK, NC), lambda i: (i, 0)),
        pl.BlockSpec((1, D), lambda i: (0, 0)),
    ],
    out_specs=pl.BlockSpec((BLK, D), lambda i: (i, 0)),
    out_shape=jax.ShapeDtypeStruct((N_NODES, D), jnp.float32),
)


@jax.jit
def kernel(x, edge_index, W, b_lin, bias):
    row = edge_index[0]
    col = edge_index[1]
    ones_k = jnp.ones((K,), jnp.float32)
    zeros_n = jnp.zeros((ZB,), jnp.float32)
    zrows = jnp.zeros((WB, D), jnp.float32)

    padcol = N_NODES + (jnp.arange(PAD, dtype=jnp.int32) % K)
    colp = jnp.concatenate(
        [col.reshape(NW, EPT), jnp.broadcast_to(padcol, (NW, PAD))], axis=1)
    col3 = colp.reshape(NW, NCH, K)

    degp = _deg_call(col3, ones_k, zeros_n)
    degp_t = degp.reshape(NC, N_NODES).T
    g = _lin_call(x, W, b_lin.reshape(1, D), degp_t)
    accp = _acc_call(g, row, col, zrows)
    out = _out_call(accp, degp_t, bias.reshape(1, D))
    return out

# --- scband reference (transcript-rebuilt; emitter-appended) ---
"""Pipeline reference for scband-graph-conv-layer-10385230921947 (READ-ONLY COPY).

The authoritative reference and input builder live on the scoring server;
editing this copy changes nothing except your own understanding.
"""

import jax, jax.numpy as jnp
import numpy as np

N_NODES = 10000
N_EDGES = 320000
D = 128

def setup_inputs(seed: int = 0) -> dict:
    key = jax.random.key(seed)
    k1, k2, k3 = jax.random.split(key, 3)
    x = jax.random.normal(k1, (N_NODES, D), dtype=jnp.float32)
    edge_index = jax.random.randint(k2, (2, N_EDGES), 0, N_NODES, dtype=jnp.int32)
    # Linear layer params (xavier-uniform-like init)
    limit = float(np.sqrt(6.0 / (D + D)))
    W = jax.random.uniform(k3, (D, D), dtype=jnp.float32, minval=-limit, maxval=limit)
    b_lin = jnp.zeros((D,), dtype=jnp.float32)
    bias = jnp.zeros((D,), dtype=jnp.float32)
    return {"x": x, "edge_index": edge_index, "W": W, "b_lin": b_lin, "bias": bias}

def reference(x, edge_index, W, b_lin, bias):
    # x = self.linear(x)
    h = x @ W.T + b_lin
    # propagate (GCN symmetric normalization)
    row = edge_index[0]
    col = edge_index[1]
    deg = jnp.zeros((h.shape[0],), dtype=h.dtype).at[col].add(jnp.ones_like(col, dtype=h.dtype))
    deg_inv_sqrt = deg ** -0.5
    deg_inv_sqrt = jnp.where(jnp.isinf(deg_inv_sqrt), 0.0, deg_inv_sqrt)
    norm = deg_inv_sqrt[row] * deg_inv_sqrt[col]
    messages = h[row] * norm[:, None]
    out = jnp.zeros_like(h).at[col].add(messages)
    # bias + relu (dropout is identity in eval mode)
    out = out + bias
    out = jax.nn.relu(out)
    return out

if __name__ == "__main__":
    import jax
    _d = setup_inputs()
    print(jax.jit(kernel)(*tuple(_d.values())))

</pallas_src>

<mosaic_0001>
#map = affine_map<(d0, d1) -> (0, 0, 0)>
#map1 = affine_map<(d0, d1) -> (0)>
module attributes {stable_mosaic.version = 14 : i64} {
  func.func @_deg_body(%arg0: i32, %arg1: i32, %arg2: memref<32x80x128xi32, #tpu.memory_space<hbm>>, %arg3: memref<128xf32, #tpu.memory_space<hbm>>, %arg4: memref<1000xf32, #tpu.memory_space<hbm>>, %arg5: memref<20000xf32, #tpu.memory_space<hbm>>, %arg6: memref<80x128xi32, #tpu.memory_space<vmem>>, %arg7: memref<128xf32, #tpu.memory_space<vmem>>, %arg8: memref<1000xf32, #tpu.memory_space<vmem>>, %arg9: memref<10128xf32, #tpu.memory_space<vmem_shared>>, %arg10: memref<!tpu.dma_semaphore, #tpu.memory_space<semaphore_mem>>) attributes {dimension_semantics = [#tpu.dimension_semantics<core_parallel>, #tpu.dimension_semantics<subcore_parallel>], iteration_bounds = array<i64: 2, 16>, scalar_prefetch = 0 : i64, scratch_operands = 5 : i64, tpu.core_type = #tpu.core_type<sc_vector_subcore>, window_params = [{transform_indices = #map}, {transform_indices = #map1}, {transform_indices = #map1}, {transform_indices = #map1}]} {
    %mul3A = arith.constant 16 : i32
    %mul3A_0 = arith.muli %arg0, %mul3A : i32
    %add3A = arith.addi %mul3A_0, %arg1 : i32
    %lt3A = arith.constant 10 : i32
    %lt3A_1 = arith.cmpi slt, %arg1, %lt3A : i32
    %convert_element_type3A = arith.extui %lt3A_1 : i1 to i32
    %cond3A = arith.constant 0 : i32
    %cond3A_2 = arith.cmpi ne, %convert_element_type3A, %cond3A : i32
    scf.if %cond3A_2 {
      "tpu.region"() ({
        %run_scoped3A = tpu.sem_alloc : memref<!tpu.dma_semaphore, #tpu.memory_space<semaphore_mem>>
        tpu.enqueue_dma source(%arg4 : memref<1000xf32, #tpu.memory_space<hbm>>) target(%arg8 : memref<1000xf32, #tpu.memory_space<vmem>>) target_semaphore(%run_scoped3A : memref<!tpu.dma_semaphore, #tpu.memory_space<semaphore_mem>>)
        tpu.wait_dma2 semaphore(%run_scoped3A : memref<!tpu.dma_semaphore, #tpu.memory_space<semaphore_mem>>) src(%arg4 : memref<1000xf32, #tpu.memory_space<hbm>>) dst(%arg8 : memref<1000xf32, #tpu.memory_space<vmem>>)
        tpu.yield
      }) : () -> ()
      %mul3A_24 = arith.constant 1000 : i32
      %mul3A_25 = arith.muli %arg1, %mul3A_24 : i32
      "tpu.region"() ({
        %run_scoped3A = tpu.sem_alloc : memref<!tpu.dma_semaphore, #tpu.memory_space<semaphore_mem>>
        %dma_start3A = tpu.memref_slice %arg9[%mul3A_25] : memref<10128xf32, #tpu.memory_space<vmem_shared>> -> memref<1000xf32, #tpu.memory_space<vmem_shared>>
        %dma_start3A_26 = tpu.memref_slice %arg9[%mul3A_25] : memref<10128xf32, #tpu.memory_space<vmem_shared>> -> memref<1000xf32, #tpu.memory_space<vmem_shared>>
        tpu.enqueue_dma source(%arg8 : memref<1000xf32, #tpu.memory_space<vmem>>) target(%dma_start3A_26 : memref<1000xf32, #tpu.memory_space<vmem_shared>>) target_semaphore(%run_scoped3A : memref<!tpu.dma_semaphore, #tpu.memory_space<semaphore_mem>>)
        %dma_wait3A = tpu.memref_slice %arg9[%mul3A_25] : memref<10128xf32, #tpu.memory_space<vmem_shared>> -> memref<1000xf32, #tpu.memory_space<vmem_shared>>
        %dma_wait3A_27 = tpu.memref_slice %arg9[%mul3A_25] : memref<10128xf32, #tpu.memory_space<vmem_shared>> -> memref<1000xf32, #tpu.memory_space<vmem_shared>>
        tpu.wait_dma2 semaphore(%run_scoped3A : memref<!tpu.dma_semaphore, #tpu.memory_space<semaphore_mem>>) src(%arg8 : memref<1000xf32, #tpu.memory_space<vmem>>) dst(%dma_wait3A_27 : memref<1000xf32, #tpu.memory_space<vmem_shared>>)
        tpu.yield
      }) : () -> ()
    } else {
    }
    %eq3A = arith.constant 10 : i32
    %eq3A_3 = arith.cmpi eq, %arg1, %eq3A : i32
    %convert_element_type3A_4 = arith.extui %eq3A_3 : i1 to i32
    %cond3A_5 = arith.constant 0 : i32
    %cond3A_6 = arith.cmpi ne, %convert_element_type3A_4, %cond3A_5 : i32
    scf.if %cond3A_6 {
      "tpu.region"() ({
        %run_scoped3A = tpu.sem_alloc : memref<!tpu.dma_semaphore, #tpu.memory_space<semaphore_mem>>
        %dma_start3A = arith.constant 0 : i32
        %dma_start3A_24 = tpu.memref_slice %arg8[%dma_start3A] : memref<1000xf32, #tpu.memory_space<vmem>> -> memref<128xf32, #tpu.memory_space<vmem>>
        %dma_start3A_25 = arith.constant 0 : i32
        %dma_start3A_26 = tpu.memref_slice %arg4[%dma_start3A_25] : memref<1000xf32, #tpu.memory_space<hbm>> -> memref<128xf32, #tpu.memory_space<hbm>>
        %dma_start3A_27 = arith.constant 0 : i32
        %dma_start3A_28 = tpu.memref_slice %arg8[%dma_start3A_27] : memref<1000xf32, #tpu.memory_space<vmem>> -> memref<128xf32, #tpu.memory_space<vmem>>
        %dma_start3A_29 = arith.constant 0 : i32
        %dma_start3A_30 = tpu.memref_slice %arg4[%dma_start3A_29] : memref<1000xf32, #tpu.memory_space<hbm>> -> memref<128xf32, #tpu.memory_space<hbm>>
        tpu.enqueue_dma source(%dma_start3A_30 : memref<128xf32, #tpu.memory_space<hbm>>) target(%dma_start3A_28 : memref<128xf32, #tpu.memory_space<vmem>>) target_semaphore(%run_scoped3A : memref<!tpu.dma_semaphore, #tpu.memory_space<semaphore_mem>>)
        %dma_wait3A = arith.constant 0 : i32
        %dma_wait3A_31 = tpu.memref_slice %arg8[%dma_wait3A] : memref<1000xf32, #tpu.memory_space<vmem>> -> memref<128xf32, #tpu.memory_space<vmem>>
        %dma_wait3A_32 = arith.constant 0 : i32
        %dma_wait3A_33 = tpu.memref_slice %arg4[%dma_wait3A_32] : memref<1000xf32, #tpu.memory_space<hbm>> -> memref<128xf32, #tpu.memory_space<hbm>>
        %dma_wait3A_34 = arith.constant 0 : i32
        %dma_wait3A_35 = tpu.memref_slice %arg8[%dma_wait3A_34] : memref<1000xf32, #tpu.memory_space<vmem>> -> memref<128xf32, #tpu.memory_space<vmem>>
        %dma_wait3A_36 = arith.constant 0 : i32
        %dma_wait3A_37 = tpu.memref_slice %arg4[%dma_wait3A_36] : memref<1000xf32, #tpu.memory_space<hbm>> -> memref<128xf32, #tpu.memory_space<hbm>>
        tpu.wait_dma2 semaphore(%run_scoped3A : memref<!tpu.dma_semaphore, #tpu.memory_space<semaphore_mem>>) src(%dma_wait3A_37 : memref<128xf32, #tpu.memory_space<hbm>>) dst(%dma_wait3A_35 : memref<128xf32, #tpu.memory_space<vmem>>)
        tpu.yield
      }) : () -> ()
      "tpu.region"() ({
        %run_scoped3A = tpu.sem_alloc : memref<!tpu.dma_semaphore, #tpu.memory_space<semaphore_mem>>
        %dma_start3A = arith.constant 0 : i32
        %dma_start3A_24 = tpu.memref_slice %arg8[%dma_start3A] : memref<1000xf32, #tpu.memory_space<vmem>> -> memref<128xf32, #tpu.memory_space<vmem>>
        %dma_start3A_25 = arith.constant 10000 : i32
        %dma_start3A_26 = tpu.memref_slice %arg9[%dma_start3A_25] : memref<10128xf32, #tpu.memory_space<vmem_shared>> -> memref<128xf32, #tpu.memory_space<vmem_shared>>
        %dma_start3A_27 = arith.constant 10000 : i32
        %dma_start3A_28 = tpu.memref_slice %arg9[%dma_start3A_27] : memref<10128xf32, #tpu.memory_space<vmem_shared>> -> memref<128xf32, #tpu.memory_space<vmem_shared>>
        %dma_start3A_29 = arith.constant 0 : i32
        %dma_start3A_30 = tpu.memref_slice %arg8[%dma_start3A_29] : memref<1000xf32, #tpu.memory_space<vmem>> -> memref<128xf32, #tpu.memory_space<vmem>>
        tpu.enqueue_dma source(%dma_start3A_30 : memref<128xf32, #tpu.memory_space<vmem>>) target(%dma_start3A_28 : memref<128xf32, #tpu.memory_space<vmem_shared>>) target_semaphore(%run_scoped3A : memref<!tpu.dma_semaphore, #tpu.memory_space<semaphore_mem>>)
        %dma_wait3A = arith.constant 0 : i32
        %dma_wait3A_31 = tpu.memref_slice %arg8[%dma_wait3A] : memref<1000xf32, #tpu.memory_space<vmem>> -> memref<128xf32, #tpu.memory_space<vmem>>
        %dma_wait3A_32 = arith.constant 10000 : i32
        %dma_wait3A_33 = tpu.memref_slice %arg9[%dma_wait3A_32] : memref<10128xf32, #tpu.memory_space<vmem_shared>> -> memref<128xf32, #tpu.memory_space<vmem_shared>>
        %dma_wait3A_34 = arith.constant 10000 : i32
        %dma_wait3A_35 = tpu.memref_slice %arg9[%dma_wait3A_34] : memref<10128xf32, #tpu.memory_space<vmem_shared>> -> memref<128xf32, #tpu.memory_space<vmem_shared>>
        %dma_wait3A_36 = arith.constant 0 : i32
        %dma_wait3A_37 = tpu.memref_slice %arg8[%dma_wait3A_36] : memref<1000xf32, #tpu.memory_space<vmem>> -> memref<128xf32, #tpu.memory_space<vmem>>
        tpu.wait_dma2 semaphore(%run_scoped3A : memref<!tpu.dma_semaphore, #tpu.memory_space<semaphore_mem>>) src(%dma_wait3A_37 : memref<128xf32, #tpu.memory_space<vmem>>) dst(%dma_wait3A_35 : memref<128xf32, #tpu.memory_space<vmem_shared>>)
        tpu.yield
      }) : () -> ()
    } else {
    }
    "tpu.region"() ({
      %run_scoped3A = tpu.sem_alloc : memref<!tpu.dma_semaphore, #tpu.memory_space<semaphore_mem>>
      tpu.enqueue_dma source(%arg3 : memref<128xf32, #tpu.memory_space<hbm>>) target(%arg7 : memref<128xf32, #tpu.memory_space<vmem>>) target_semaphore(%run_scoped3A : memref<!tpu.dma_semaphore, #tpu.memory_space<semaphore_mem>>)
      tpu.wait_dma2 semaphore(%run_scoped3A : memref<!tpu.dma_semaphore, #tpu.memory_space<semaphore_mem>>) src(%arg3 : memref<128xf32, #tpu.memory_space<hbm>>) dst(%arg7 : memref<128xf32, #tpu.memory_space<vmem>>)
      tpu.yield
    }) : () -> ()
    "tpu.region"() ({
      %run_scoped3A = tpu.sem_alloc : memref<!tpu.dma_semaphore, #tpu.memory_space<semaphore_mem>>
      %dma_start3A = arith.constant 0 : i32
      %dma_start3A_24 = arith.constant 0 : i32
      %dma_start3A_25 = tpu.memref_slice %arg2[%add3A, %dma_start3A, %dma_start3A_24] : memref<32x80x128xi32, #tpu.memory_space<hbm>> -> memref<1x80x128xi32, #tpu.memory_space<hbm>>
      %dma_start3A_26 = tpu.memref_squeeze %dma_start3A_25 : memref<1x80x128xi32, #tpu.memory_space<hbm>> -> memref<80x128xi32, #tpu.memory_space<hbm>>
      %dma_start3A_27 = arith.constant 0 : i32
      %dma_start3A_28 = arith.constant 0 : i32
      %dma_start3A_29 = tpu.memref_slice %arg2[%add3A, %dma_start3A_27, %dma_start3A_28] : memref<32x80x128xi32, #tpu.memory_space<hbm>> -> memref<1x80x128xi32, #tpu.memory_space<hbm>>
      %dma_start3A_30 = tpu.memref_squeeze %dma_start3A_29 : memref<1x80x128xi32, #tpu.memory_space<hbm>> -> memref<80x128xi32, #tpu.memory_space<hbm>>
      tpu.enqueue_dma source(%dma_start3A_30 : memref<80x128xi32, #tpu.memory_space<hbm>>) target(%arg6 : memref<80x128xi32, #tpu.memory_space<vmem>>) target_semaphore(%run_scoped3A : memref<!tpu.dma_semaphore, #tpu.memory_space<semaphore_mem>>)
      %dma_wait3A = arith.constant 0 : i32
      %dma_wait3A_31 = arith.constant 0 : i32
      %dma_wait3A_32 = tpu.memref_slice %arg2[%add3A, %dma_wait3A, %dma_wait3A_31] : memref<32x80x128xi32, #tpu.memory_space<hbm>> -> memref<1x80x128xi32, #tpu.memory_space<hbm>>
      %dma_wait3A_33 = tpu.memref_squeeze %dma_wait3A_32 : memref<1x80x128xi32, #tpu.memory_space<hbm>> -> memref<80x128xi32, #tpu.memory_space<hbm>>
      %dma_wait3A_34 = arith.constant 0 : i32
      %dma_wait3A_35 = arith.constant 0 : i32
      %dma_wait3A_36 = tpu.memref_slice %arg2[%add3A, %dma_wait3A_34, %dma_wait3A_35] : memref<32x80x128xi32, #tpu.memory_space<hbm>> -> memref<1x80x128xi32, #tpu.memory_space<hbm>>
      %dma_wait3A_37 = tpu.memref_squeeze %dma_wait3A_36 : memref<1x80x128xi32, #tpu.memory_space<hbm>> -> memref<80x128xi32, #tpu.memory_space<hbm>>
      tpu.wait_dma2 semaphore(%run_scoped3A : memref<!tpu.dma_semaphore, #tpu.memory_space<semaphore_mem>>) src(%dma_wait3A_37 : memref<80x128xi32, #tpu.memory_space<hbm>>) dst(%arg6 : memref<80x128xi32, #tpu.memory_space<vmem>>)
      tpu.yield
    }) : () -> ()
    %barrier3A = arith.constant 0 : index
    tpu.barrier barrier_id(%barrier3A)
    %scan3A = arith.constant 0 : i32
    %scan3A_7 = arith.constant 0 : i32
    %scan3A_8 = arith.constant 80 : i32
    %scan3A_9 = arith.addi %scan3A_7, %scan3A_8 : i32
    %scan3A_10 = arith.constant 1 : i32
    scf.for %scan3A_24 = %scan3A_7 to %scan3A_9 step %scan3A_10  : i32 {
      %dma_start3A = arith.constant 0 : i32
      %dma_start3A_25 = tpu.memref_slice %arg6[%scan3A_24, %dma_start3A] : memref<80x128xi32, #tpu.memory_space<vmem>> -> memref<1x128xi32, #tpu.memory_space<vmem>>
      %dma_start3A_26 = tpu.memref_squeeze %dma_start3A_25 : memref<1x128xi32, #tpu.memory_space<vmem>> -> memref<128xi32, #tpu.memory_space<vmem>>
      %dma_start3A_27 = arith.constant 0 : i32
      %dma_start3A_28 = tpu.memref_slice %arg9[%dma_start3A_27] : memref<10128xf32, #tpu.memory_space<vmem_shared>> -> memref<10128xf32, #tpu.memory_space<vmem_shared>>
      tpu.enqueue_indirect_dma source(%arg7 : memref<128xf32, #tpu.memory_space<vmem>>) target(%dma_start3A_28 : memref<10128xf32, #tpu.memory_space<vmem_shared>>) offsets(%dma_start3A_26 : memref<128xi32, #tpu.memory_space<vmem>>) semaphore(%arg10 : memref<!tpu.dma_semaphore, #tpu.memory_space<semaphore_mem>>) {add = true}
      %ge3A = arith.constant 8 : i32
      %ge3A_29 = arith.cmpi sge, %scan3A_24, %ge3A : i32
      %convert_element_type3A_30 = arith.extui %ge3A_29 : i1 to i32
      %cond3A_31 = arith.constant 0 : i32
      %cond3A_32 = arith.cmpi ne, %convert_element_type3A_30, %cond3A_31 : i32
      scf.if %cond3A_32 {
        %sub3A = arith.constant 8 : i32
        %sub3A_33 = arith.subi %scan3A_24, %sub3A : i32
        %dma_wait3A = arith.constant 0 : i32
        %dma_wait3A_34 = tpu.memref_slice %arg6[%sub3A_33, %dma_wait3A] : memref<80x128xi32, #tpu.memory_space<vmem>> -> memref<1x128xi32, #tpu.memory_space<vmem>>
        %dma_wait3A_35 = tpu.memref_squeeze %dma_wait3A_34 : memref<1x128xi32, #tpu.memory_space<vmem>> -> memref<128xi32, #tpu.memory_space<vmem>>
        %dma_wait3A_36 = arith.constant 0 : i32
        %dma_wait3A_37 = tpu.memref_slice %arg9[%dma_wait3A_36] : memref<10128xf32, #tpu.memory_space<vmem_shared>> -> memref<10128xf32, #tpu.memory_space<vmem_shared>>
        tpu.wait_indirect_dma semaphore(%arg10 : memref<!tpu.dma_semaphore, #tpu.memory_space<semaphore_mem>>) src(%arg7 : memref<128xf32, #tpu.memory_space<vmem>>) dst(%dma_wait3A_37 : memref<10128xf32, #tpu.memory_space<vmem_shared>>)
      } else {
      }
    }
    %scan3A_11 = arith.constant 80 : i32
    %scan3A_12 = arith.constant 0 : i32
    %scan3A_13 = arith.constant 72 : i32
    %scan3A_14 = arith.constant 8 : i32
    %scan3A_15 = arith.addi %scan3A_13, %scan3A_14 : i32
    %scan3A_16 = arith.constant 1 : i32
    scf.for %scan3A_24 = %scan3A_13 to %scan3A_15 step %scan3A_16  : i32 {
      %dma_wait3A = arith.constant 0 : i32
      %dma_wait3A_25 = tpu.memref_slice %arg6[%scan3A_24, %dma_wait3A] : memref<80x128xi32, #tpu.memory_space<vmem>> -> memref<1x128xi32, #tpu.memory_space<vmem>>
      %dma_wait3A_26 = tpu.memref_squeeze %dma_wait3A_25 : memref<1x128xi32, #tpu.memory_space<vmem>> -> memref<128xi32, #tpu.memory_space<vmem>>
      %dma_wait3A_27 = arith.constant 0 : i32
      %dma_wait3A_28 = tpu.memref_slice %arg9[%dma_wait3A_27] : memref<10128xf32, #tpu.memory_space<vmem_shared>> -> memref<10128xf32, #tpu.memory_space<vmem_shared>>
      tpu.wait_indirect_dma semaphore(%arg10 : memref<!tpu.dma_semaphore, #tpu.memory_space<semaphore_mem>>) src(%arg7 : memref<128xf32, #tpu.memory_space<vmem>>) dst(%dma_wait3A_28 : memref<10128xf32, #tpu.memory_space<vmem_shared>>)
    }
    %scan3A_17 = arith.constant 8 : i32
    %barrier3A_18 = arith.constant 0 : index
    tpu.barrier barrier_id(%barrier3A_18)
    %lt3A_19 = arith.constant 10 : i32
    %lt3A_20 = arith.cmpi slt, %arg1, %lt3A_19 : i32
    %convert_element_type3A_21 = arith.extui %lt3A_20 : i1 to i32
    %cond3A_22 = arith.constant 0 : i32
    %cond3A_23 = arith.cmpi ne, %convert_element_type3A_21, %cond3A_22 : i32
    scf.if %cond3A_23 {
      %mul3A_24 = arith.constant 1000 : i32
      %mul3A_25 = arith.muli %arg1, %mul3A_24 : i32
      "tpu.region"() ({
        %run_scoped3A = tpu.sem_alloc : memref<!tpu.dma_semaphore, #tpu.memory_space<semaphore_mem>>
        %dma_start3A = tpu.memref_slice %arg9[%mul3A_25] : memref<10128xf32, #tpu.memory_space<vmem_shared>> -> memref<1000xf32, #tpu.memory_space<vmem_shared>>
        %dma_start3A_31 = tpu.memref_slice %arg9[%mul3A_25] : memref<10128xf32, #tpu.memory_space<vmem_shared>> -> memref<1000xf32, #tpu.memory_space<vmem_shared>>
        tpu.enqueue_dma source(%dma_start3A_31 : memref<1000xf32, #tpu.memory_space<vmem_shared>>) target(%arg8 : memref<1000xf32, #tpu.memory_space<vmem>>) target_semaphore(%run_scoped3A : memref<!tpu.dma_semaphore, #tpu.memory_space<semaphore_mem>>)
        %dma_wait3A = tpu.memref_slice %arg9[%mul3A_25] : memref<10128xf32, #tpu.memory_space<vmem_shared>> -> memref<1000xf32, #tpu.memory_space<vmem_shared>>
        %dma_wait3A_32 = tpu.memref_slice %arg9[%mul3A_25] : memref<10128xf32, #tpu.memory_space<vmem_shared>> -> memref<1000xf32, #tpu.memory_space<vmem_shared>>
        tpu.wait_dma2 semaphore(%run_scoped3A : memref<!tpu.dma_semaphore, #tpu.memory_space<semaphore_mem>>) src(%dma_wait3A_32 : memref<1000xf32, #tpu.memory_space<vmem_shared>>) dst(%arg8 : memref<1000xf32, #tpu.memory_space<vmem>>)
        tpu.yield
      }) : () -> ()
      %mul3A_26 = arith.constant 10000 : i32
      %mul3A_27 = arith.muli %arg0, %mul3A_26 : i32
      %mul3A_28 = arith.constant 1000 : i32
      %mul3A_29 = arith.muli %arg1, %mul3A_28 : i32
      %add3A_30 = arith.addi %mul3A_27, %mul3A_29 : i32
      "tpu.region"() ({
        %run_scoped3A = tpu.sem_alloc : memref<!tpu.dma_semaphore, #tpu.memory_space<semaphore_mem>>
        %dma_start3A = tpu.memref_slice %arg5[%add3A_30] : memref<20000xf32, #tpu.memory_space<hbm>> -> memref<1000xf32, #tpu.memory_space<hbm>>
        %dma_start3A_31 = tpu.memref_slice %arg5[%add3A_30] : memref<20000xf32, #tpu.memory_space<hbm>> -> memref<1000xf32, #tpu.memory_space<hbm>>
        tpu.enqueue_dma source(%arg8 : memref<1000xf32, #tpu.memory_space<vmem>>) target(%dma_start3A_31 : memref<1000xf32, #tpu.memory_space<hbm>>) target_semaphore(%run_scoped3A : memref<!tpu.dma_semaphore, #tpu.memory_space<semaphore_mem>>)
        %dma_wait3A = tpu.memref_slice %arg5[%add3A_30] : memref<20000xf32, #tpu.memory_space<hbm>> -> memref<1000xf32, #tpu.memory_space<hbm>>
        %dma_wait3A_32 = tpu.memref_slice %arg5[%add3A_30] : memref<20000xf32, #tpu.memory_space<hbm>> -> memref<1000xf32, #tpu.memory_space<hbm>>
        tpu.wait_dma2 semaphore(%run_scoped3A : memref<!tpu.dma_semaphore, #tpu.memory_space<semaphore_mem>>) src(%arg8 : memref<1000xf32, #tpu.memory_space<vmem>>) dst(%dma_wait3A_32 : memref<1000xf32, #tpu.memory_space<hbm>>)
        tpu.yield
      }) : () -> ()
    } else {
    }
    return
  }
}

#map = affine_map<(d0, d1) -> (0, 0)>
#map1 = affine_map<(d0, d1) -> (0)>
#map2 = affine_map<(d0, d1) -> (0, 0, 0)>
module attributes {stable_mosaic.version = 14 : i64} {
  func.func @_acc_body(%arg0: i32, %arg1: i32, %arg2: memref<10000x128xf32, #tpu.memory_space<hbm>>, %arg3: memref<320000xi32, #tpu.memory_space<hbm>>, %arg4: memref<320000xi32, #tpu.memory_space<hbm>>, %arg5: memref<40x128xf32, #tpu.memory_space<hbm>>, %arg6: memref<2x10000x128xf32, #tpu.memory_space<hbm>>, %arg7: memref<128xi32, #tpu.memory_space<vmem>>, %arg8: memref<128xi32, #tpu.memory_space<vmem>>, %arg9: memref<128xi32, #tpu.memory_space<vmem>>, %arg10: memref<128xi32, #tpu.memory_space<vmem>>, %arg11: memref<128xi32, #tpu.memory_space<vmem>>, %arg12: memref<128xi32, #tpu.memory_space<vmem>>, %arg13: memref<16xi32, #tpu.memory_space<vmem>>, %arg14: memref<16xi32, #tpu.memory_space<vmem>>, %arg15: memref<128x128xf32, #tpu.memory_space<vmem>>, %arg16: memref<128x128xf32, #tpu.memory_space<vmem>>, %arg17: memref<128x128xf32, #tpu.memory_space<vmem>>, %arg18: memref<10000x128xf32, #tpu.memory_space<vmem_shared>>, %arg19: memref<!tpu.dma_semaphore, #tpu.memory_space<semaphore_mem>>, %arg20: memref<!tpu.dma_semaphore, #tpu.memory_space<semaphore_mem>>, %arg21: memref<!tpu.dma_semaphore, #tpu.memory_space<semaphore_mem>>, %arg22: memref<!tpu.dma_semaphore, #tpu.memory_space<semaphore_mem>>, %arg23: memref<!tpu.dma_semaphore, #tpu.memory_space<semaphore_mem>>, %arg24: memref<!tpu.dma_semaphore, #tpu.memory_space<semaphore_mem>>) attributes {dimension_semantics = [#tpu.dimension_semantics<core_parallel>, #tpu.dimension_semantics<subcore_parallel>], iteration_bounds = array<i64: 2, 16>, scalar_prefetch = 0 : i64, scratch_operands = 18 : i64, tpu.core_type = #tpu.core_type<sc_vector_subcore>, window_params = [{transform_indices = #map}, {transform_indices = #map1}, {transform_indices = #map1}, {transform_indices = #map}, {transform_indices = #map2}]} {
    %mul3A = arith.constant 16 : i32
    %mul3A_0 = arith.muli %arg0, %mul3A : i32
    %add3A = arith.addi %mul3A_0, %arg1 : i32
    %mul3A_1 = arith.constant 10000 : i32
    %mul3A_2 = arith.muli %add3A, %mul3A_1 : i32
    %lt3A = arith.constant 10 : i32
    %lt3A_3 = arith.cmpi slt, %arg1, %lt3A : i32
    %convert_element_type3A = arith.extui %lt3A_3 : i1 to i32
    %cond3A = arith.constant 0 : i32
    %cond3A_4 = arith.cmpi ne, %convert_element_type3A, %cond3A : i32
    scf.if %cond3A_4 {
      "tpu.region"() ({
        %run_scoped3A = tpu.sem_alloc : memref<!tpu.dma_semaphore, #tpu.memory_space<semaphore_mem>>
        %dma_start3A_50 = arith.constant 0 : i32
        %dma_start3A_51 = arith.constant 0 : i32
        %dma_start3A_52 = tpu.memref_slice %arg15[%dma_start3A_50, %dma_start3A_51] : memref<128x128xf32, #tpu.memory_space<vmem>> -> memref<40x128xf32, #tpu.memory_space<vmem>>
        %dma_start3A_53 = arith.constant 0 : i32
        %dma_start3A_54 = arith.constant 0 : i32
        %dma_start3A_55 = tpu.memref_slice %arg15[%dma_start3A_53, %dma_start3A_54] : memref<128x128xf32, #tpu.memory_space<vmem>> -> memref<40x128xf32, #tpu.memory_space<vmem>>
        tpu.enqueue_dma source(%arg5 : memref<40x128xf32, #tpu.memory_space<hbm>>) target(%dma_start3A_55 : memref<40x128xf32, #tpu.memory_space<vmem>>) target_semaphore(%run_scoped3A : memref<!tpu.dma_semaphore, #tpu.memory_space<semaphore_mem>>)
        %dma_wait3A_56 = arith.constant 0 : i32
        %dma_wait3A_57 = arith.constant 0 : i32
        %dma_wait3A_58 = tpu.memref_slice %arg15[%dma_wait3A_56, %dma_wait3A_57] : memref<128x128xf32, #tpu.memory_space<vmem>> -> memref<40x128xf32, #tpu.memory_space<vmem>>
        %dma_wait3A_59 = arith.constant 0 : i32
        %dma_wait3A_60 = arith.constant 0 : i32
        %dma_wait3A_61 = tpu.memref_slice %arg15[%dma_wait3A_59, %dma_wait3A_60] : memref<128x128xf32, #tpu.memory_space<vmem>> -> memref<40x128xf32, #tpu.memory_space<vmem>>
        tpu.wait_dma2 semaphore(%run_scoped3A : memref<!tpu.dma_semaphore, #tpu.memory_space<semaphore_mem>>) src(%arg5 : memref<40x128xf32, #tpu.memory_space<hbm>>) dst(%dma_wait3A_61 : memref<40x128xf32, #tpu.memory_space<vmem>>)
        tpu.yield
      }) : () -> ()
      %scan3A_44 = arith.constant 0 : i32
      %scan3A_45 = arith.constant 0 : i32
      %scan3A_46 = arith.constant 25 : i32
      %scan3A_47 = arith.addi %scan3A_45, %scan3A_46 : i32
      %scan3A_48 = arith.constant 1 : i32
      scf.for %scan3A_50 = %scan3A_45 to %scan3A_47 step %scan3A_48  : i32 {
        %mul3A_51 = arith.constant 1000 : i32
        %mul3A_52 = arith.muli %arg1, %mul3A_51 : i32
        %mul3A_53 = arith.constant 40 : i32
        %mul3A_54 = arith.muli %scan3A_50, %mul3A_53 : i32
        %add3A_55 = arith.addi %mul3A_52, %mul3A_54 : i32
        "tpu.region"() ({
          %run_scoped3A = tpu.sem_alloc : memref<!tpu.dma_semaphore, #tpu.memory_space<semaphore_mem>>
          %dma_start3A_56 = arith.constant 0 : i32
          %dma_start3A_57 = arith.constant 0 : i32
          %dma_start3A_58 = tpu.memref_slice %arg15[%dma_start3A_56, %dma_start3A_57] : memref<128x128xf32, #tpu.memory_space<vmem>> -> memref<40x128xf32, #tpu.memory_space<vmem>>
          %dma_start3A_59 = arith.constant 0 : i32
          %dma_start3A_60 = tpu.memref_slice %arg18[%add3A_55, %dma_start3A_59] : memref<10000x128xf32, #tpu.memory_space<vmem_shared>> -> memref<40x128xf32, #tpu.memory_space<vmem_shared>>
          %dma_start3A_61 = arith.constant 0 : i32
          %dma_start3A_62 = tpu.memref_slice %arg18[%add3A_55, %dma_start3A_61] : memref<10000x128xf32, #tpu.memory_space<vmem_shared>> -> memref<40x128xf32, #tpu.memory_space<vmem_shared>>
          %dma_start3A_63 = arith.constant 0 : i32
          %dma_start3A_64 = arith.constant 0 : i32
          %dma_start3A_65 = tpu.memref_slice %arg15[%dma_start3A_63, %dma_start3A_64] : memref<128x128xf32, #tpu.memory_space<vmem>> -> memref<40x128xf32, #tpu.memory_space<vmem>>
          tpu.enqueue_dma source(%dma_start3A_65 : memref<40x128xf32, #tpu.memory_space<vmem>>) target(%dma_start3A_62 : memref<40x128xf32, #tpu.memory_space<vmem_shared>>) target_semaphore(%run_scoped3A : memref<!tpu.dma_semaphore, #tpu.memory_space<semaphore_mem>>)
          %dma_wait3A_66 = arith.constant 0 : i32
          %dma_wait3A_67 = arith.constant 0 : i32
          %dma_wait3A_68 = tpu.memref_slice %arg15[%dma_wait3A_66, %dma_wait3A_67] : memref<128x128xf32, #tpu.memory_space<vmem>> -> memref<40x128xf32, #tpu.memory_space<vmem>>
          %dma_wait3A_69 = arith.constant 0 : i32
          %dma_wait3A_70 = tpu.memref_slice %arg18[%add3A_55, %dma_wait3A_69] : memref<10000x128xf32, #tpu.memory_space<vmem_shared>> -> memref<40x128xf32, #tpu.memory_space<vmem_shared>>
          %dma_wait3A_71 = arith.constant 0 : i32
          %dma_wait3A_72 = tpu.memref_slice %arg18[%add3A_55, %dma_wait3A_71] : memref<10000x128xf32, #tpu.memory_space<vmem_shared>> -> memref<40x128xf32, #tpu.memory_space<vmem_shared>>
          %dma_wait3A_73 = arith.constant 0 : i32
          %dma_wait3A_74 = arith.constant 0 : i32
          %dma_wait3A_75 = tpu.memref_slice %arg15[%dma_wait3A_73, %dma_wait3A_74] : memref<128x128xf32, #tpu.memory_space<vmem>> -> memref<40x128xf32, #tpu.memory_space<vmem>>
          tpu.wait_dma2 semaphore(%run_scoped3A : memref<!tpu.dma_semaphore, #tpu.memory_space<semaphore_mem>>) src(%dma_wait3A_75 : memref<40x128xf32, #tpu.memory_space<vmem>>) dst(%dma_wait3A_72 : memref<40x128xf32, #tpu.memory_space<vmem_shared>>)
          tpu.yield
        }) : () -> ()
      }
      %scan3A_49 = arith.constant 25 : i32
    } else {
    }
    %barrier3A = arith.constant 0 : index
    tpu.barrier barrier_id(%barrier3A)
    %add3A_5 = arith.constant 0 : i32
    %add3A_6 = arith.addi %mul3A_2, %add3A_5 : i32
    "tpu.region"() ({
      %run_scoped3A = tpu.sem_alloc : memref<!tpu.dma_semaphore, #tpu.memory_space<semaphore_mem>>
      %dma_start3A_44 = tpu.memref_slice %arg3[%add3A_6] : memref<320000xi32, #tpu.memory_space<hbm>> -> memref<128xi32, #tpu.memory_space<hbm>>
      %dma_start3A_45 = tpu.memref_slice %arg3[%add3A_6] : memref<320000xi32, #tpu.memory_space<hbm>> -> memref<128xi32, #tpu.memory_space<hbm>>
      tpu.enqueue_dma source(%dma_start3A_45 : memref<128xi32, #tpu.memory_space<hbm>>) target(%arg7 : memref<128xi32, #tpu.memory_space<vmem>>) target_semaphore(%run_scoped3A : memref<!tpu.dma_semaphore, #tpu.memory_space<semaphore_mem>>)
      %dma_wait3A_46 = tpu.memref_slice %arg3[%add3A_6] : memref<320000xi32, #tpu.memory_space<hbm>> -> memref<128xi32, #tpu.memory_space<hbm>>
      %dma_wait3A_47 = tpu.memref_slice %arg3[%add3A_6] : memref<320000xi32, #tpu.memory_space<hbm>> -> memref<128xi32, #tpu.memory_space<hbm>>
      tpu.wait_dma2 semaphore(%run_scoped3A : memref<!tpu.dma_semaphore, #tpu.memory_space<semaphore_mem>>) src(%dma_wait3A_47 : memref<128xi32, #tpu.memory_space<hbm>>) dst(%arg7 : memref<128xi32, #tpu.memory_space<vmem>>)
      tpu.yield
    }) : () -> ()
    "tpu.region"() ({
      %run_scoped3A = tpu.sem_alloc : memref<!tpu.dma_semaphore, #tpu.memory_space<semaphore_mem>>
      %dma_start3A_44 = tpu.memref_slice %arg4[%add3A_6] : memref<320000xi32, #tpu.memory_space<hbm>> -> memref<128xi32, #tpu.memory_space<hbm>>
      %dma_start3A_45 = tpu.memref_slice %arg4[%add3A_6] : memref<320000xi32, #tpu.memory_space<hbm>> -> memref<128xi32, #tpu.memory_space<hbm>>
      tpu.enqueue_dma source(%dma_start3A_45 : memref<128xi32, #tpu.memory_space<hbm>>) target(%arg8 : memref<128xi32, #tpu.memory_space<vmem>>) target_semaphore(%run_scoped3A : memref<!tpu.dma_semaphore, #tpu.memory_space<semaphore_mem>>)
      %dma_wait3A_46 = tpu.memref_slice %arg4[%add3A_6] : memref<320000xi32, #tpu.memory_space<hbm>> -> memref<128xi32, #tpu.memory_space<hbm>>
      %dma_wait3A_47 = tpu.memref_slice %arg4[%add3A_6] : memref<320000xi32, #tpu.memory_space<hbm>> -> memref<128xi32, #tpu.memory_space<hbm>>
      tpu.wait_dma2 semaphore(%run_scoped3A : memref<!tpu.dma_semaphore, #tpu.memory_space<semaphore_mem>>) src(%dma_wait3A_47 : memref<128xi32, #tpu.memory_space<hbm>>) dst(%arg8 : memref<128xi32, #tpu.memory_space<vmem>>)
      tpu.yield
    }) : () -> ()
    %add3A_7 = arith.constant 128 : i32
    %add3A_8 = arith.addi %mul3A_2, %add3A_7 : i32
    "tpu.region"() ({
      %run_scoped3A = tpu.sem_alloc : memref<!tpu.dma_semaphore, #tpu.memory_space<semaphore_mem>>
      %dma_start3A_44 = tpu.memref_slice %arg3[%add3A_8] : memref<320000xi32, #tpu.memory_space<hbm>> -> memref<128xi32, #tpu.memory_space<hbm>>
      %dma_start3A_45 = tpu.memref_slice %arg3[%add3A_8] : memref<320000xi32, #tpu.memory_space<hbm>> -> memref<128xi32, #tpu.memory_space<hbm>>
      tpu.enqueue_dma source(%dma_start3A_45 : memref<128xi32, #tpu.memory_space<hbm>>) target(%arg9 : memref<128xi32, #tpu.memory_space<vmem>>) target_semaphore(%run_scoped3A : memref<!tpu.dma_semaphore, #tpu.memory_space<semaphore_mem>>)
      %dma_wait3A_46 = tpu.memref_slice %arg3[%add3A_8] : memref<320000xi32, #tpu.memory_space<hbm>> -> memref<128xi32, #tpu.memory_space<hbm>>
      %dma_wait3A_47 = tpu.memref_slice %arg3[%add3A_8] : memref<320000xi32, #tpu.memory_space<hbm>> -> memref<128xi32, #tpu.memory_space<hbm>>
      tpu.wait_dma2 semaphore(%run_scoped3A : memref<!tpu.dma_semaphore, #tpu.memory_space<semaphore_mem>>) src(%dma_wait3A_47 : memref<128xi32, #tpu.memory_space<hbm>>) dst(%arg9 : memref<128xi32, #tpu.memory_space<vmem>>)
      tpu.yield
    }) : () -> ()
    "tpu.region"() ({
      %run_scoped3A = tpu.sem_alloc : memref<!tpu.dma_semaphore, #tpu.memory_space<semaphore_mem>>
      %dma_start3A_44 = tpu.memref_slice %arg4[%add3A_8] : memref<320000xi32, #tpu.memory_space<hbm>> -> memref<128xi32, #tpu.memory_space<hbm>>
      %dma_start3A_45 = tpu.memref_slice %arg4[%add3A_8] : memref<320000xi32, #tpu.memory_space<hbm>> -> memref<128xi32, #tpu.memory_space<hbm>>
      tpu.enqueue_dma source(%dma_start3A_45 : memref<128xi32, #tpu.memory_space<hbm>>) target(%arg10 : memref<128xi32, #tpu.memory_space<vmem>>) target_semaphore(%run_scoped3A : memref<!tpu.dma_semaphore, #tpu.memory_space<semaphore_mem>>)
      %dma_wait3A_46 = tpu.memref_slice %arg4[%add3A_8] : memref<320000xi32, #tpu.memory_space<hbm>> -> memref<128xi32, #tpu.memory_space<hbm>>
      %dma_wait3A_47 = tpu.memref_slice %arg4[%add3A_8] : memref<320000xi32, #tpu.memory_space<hbm>> -> memref<128xi32, #tpu.memory_space<hbm>>
      tpu.wait_dma2 semaphore(%run_scoped3A : memref<!tpu.dma_semaphore, #tpu.memory_space<semaphore_mem>>) src(%dma_wait3A_47 : memref<128xi32, #tpu.memory_space<hbm>>) dst(%arg10 : memref<128xi32, #tpu.memory_space<vmem>>)
      tpu.yield
    }) : () -> ()
    %dma_start3A = arith.constant 0 : i32
    %dma_start3A_9 = arith.constant 0 : i32
    %dma_start3A_10 = tpu.memref_slice %arg2[%dma_start3A, %dma_start3A_9] : memref<10000x128xf32, #tpu.memory_space<hbm>> -> memref<10000x128xf32, #tpu.memory_space<hbm>>
    tpu.enqueue_indirect_dma source(%dma_start3A_10 : memref<10000x128xf32, #tpu.memory_space<hbm>>) target(%arg15 : memref<128x128xf32, #tpu.memory_space<vmem>>) offsets(%arg7 : memref<128xi32, #tpu.memory_space<vmem>>) semaphore(%arg19 : memref<!tpu.dma_semaphore, #tpu.memory_space<semaphore_mem>>)
    %dma_start3A_11 = arith.constant 0 : i32
    %dma_start3A_12 = arith.constant 0 : i32
    %dma_start3A_13 = tpu.memref_slice %arg2[%dma_start3A_11, %dma_start3A_12] : memref<10000x128xf32, #tpu.memory_space<hbm>> -> memref<10000x128xf32, #tpu.memory_space<hbm>>
    tpu.enqueue_indirect_dma source(%dma_start3A_13 : memref<10000x128xf32, #tpu.memory_space<hbm>>) target(%arg16 : memref<128x128xf32, #tpu.memory_space<vmem>>) offsets(%arg9 : memref<128xi32, #tpu.memory_space<vmem>>) semaphore(%arg20 : memref<!tpu.dma_semaphore, #tpu.memory_space<semaphore_mem>>)
    %add3A_14 = arith.constant 256 : i32
    %add3A_15 = arith.addi %mul3A_2, %add3A_14 : i32
    %dma_start3A_16 = tpu.memref_slice %arg3[%add3A_15] : memref<320000xi32, #tpu.memory_space<hbm>> -> memref<128xi32, #tpu.memory_space<hbm>>
    %dma_start3A_17 = tpu.memref_slice %arg3[%add3A_15] : memref<320000xi32, #tpu.memory_space<hbm>> -> memref<128xi32, #tpu.memory_space<hbm>>
    tpu.enqueue_dma source(%dma_start3A_17 : memref<128xi32, #tpu.memory_space<hbm>>) target(%arg11 : memref<128xi32, #tpu.memory_space<vmem>>) target_semaphore(%arg24 : memref<!tpu.dma_semaphore, #tpu.memory_space<semaphore_mem>>)
    %dma_start3A_18 = tpu.memref_slice %arg4[%add3A_15] : memref<320000xi32, #tpu.memory_space<hbm>> -> memref<128xi32, #tpu.memory_space<hbm>>
    %dma_start3A_19 = tpu.memref_slice %arg4[%add3A_15] : memref<320000xi32, #tpu.memory_space<hbm>> -> memref<128xi32, #tpu.memory_space<hbm>>
    tpu.enqueue_dma source(%dma_start3A_19 : memref<128xi32, #tpu.memory_space<hbm>>) target(%arg12 : memref<128xi32, #tpu.memory_space<vmem>>) target_semaphore(%arg24 : memref<!tpu.dma_semaphore, #tpu.memory_space<semaphore_mem>>)
    %scan3A = arith.constant 0 : i32
    %scan3A_20 = arith.constant 0 : i32
    %scan3A_21 = arith.constant 26 : i32
    %scan3A_22 = arith.addi %scan3A_20, %scan3A_21 : i32
    %scan3A_23 = arith.constant 1 : i32
    scf.for %scan3A_44 = %scan3A_20 to %scan3A_22 step %scan3A_23  : i32 {
      %mul3A_45 = arith.constant 3 : i32
      %mul3A_46 = arith.muli %mul3A_45, %scan3A_44 : i32
      %dma_wait3A_47 = arith.constant 0 : i32
      %dma_wait3A_48 = arith.constant 0 : i32
      %dma_wait3A_49 = tpu.memref_slice %arg2[%dma_wait3A_47, %dma_wait3A_48] : memref<10000x128xf32, #tpu.memory_space<hbm>> -> memref<10000x128xf32, #tpu.memory_space<hbm>>
      tpu.wait_indirect_dma semaphore(%arg19 : memref<!tpu.dma_semaphore, #tpu.memory_space<semaphore_mem>>) src(%dma_wait3A_49 : memref<10000x128xf32, #tpu.memory_space<hbm>>) dst(%arg15 : memref<128x128xf32, #tpu.memory_space<vmem>>)
      %add3A_50 = arith.constant 2 : i32
      %add3A_51 = arith.addi %mul3A_46, %add3A_50 : i32
      %lt3A_52 = arith.constant 78 : i32
      %lt3A_53 = arith.cmpi slt, %add3A_51, %lt3A_52 : i32
      %convert_element_type3A_54 = arith.extui %lt3A_53 : i1 to i32
      %cond3A_55 = arith.constant 0 : i32
      %cond3A_56 = arith.cmpi ne, %convert_element_type3A_54, %cond3A_55 : i32
      scf.if %cond3A_56 {
        %add3A_102 = arith.constant 2 : i32
        %add3A_103 = arith.addi %mul3A_46, %add3A_102 : i32
        %mul3A_104 = arith.constant 128 : i32
        %mul3A_105 = arith.muli %add3A_103, %mul3A_104 : i32
        %add3A_106 = arith.addi %mul3A_2, %mul3A_105 : i32
        %dma_wait3A_107 = tpu.memref_slice %arg3[%add3A_106] : memref<320000xi32, #tpu.memory_space<hbm>> -> memref<128xi32, #tpu.memory_space<hbm>>
        %dma_wait3A_108 = tpu.memref_slice %arg3[%add3A_106] : memref<320000xi32, #tpu.memory_space<hbm>> -> memref<128xi32, #tpu.memory_space<hbm>>
        tpu.wait_dma2 semaphore(%arg24 : memref<!tpu.dma_semaphore, #tpu.memory_space<semaphore_mem>>) src(%dma_wait3A_108 : memref<128xi32, #tpu.memory_space<hbm>>) dst(%arg11 : memref<128xi32, #tpu.memory_space<vmem>>)
        %dma_wait3A_109 = tpu.memref_slice %arg4[%add3A_106] : memref<320000xi32, #tpu.memory_space<hbm>> -> memref<128xi32, #tpu.memory_space<hbm>>
        %dma_wait3A_110 = tpu.memref_slice %arg4[%add3A_106] : memref<320000xi32, #tpu.memory_space<hbm>> -> memref<128xi32, #tpu.memory_space<hbm>>
        tpu.wait_dma2 semaphore(%arg24 : memref<!tpu.dma_semaphore, #tpu.memory_space<semaphore_mem>>) src(%dma_wait3A_110 : memref<128xi32, #tpu.memory_space<hbm>>) dst(%arg12 : memref<128xi32, #tpu.memory_space<vmem>>)
        %dma_start3A_111 = arith.constant 0 : i32
        %dma_start3A_112 = arith.constant 0 : i32
        %dma_start3A_113 = tpu.memref_slice %arg2[%dma_start3A_111, %dma_start3A_112] : memref<10000x128xf32, #tpu.memory_space<hbm>> -> memref<10000x128xf32, #tpu.memory_space<hbm>>
        tpu.enqueue_indirect_dma source(%dma_start3A_113 : memref<10000x128xf32, #tpu.memory_space<hbm>>) target(%arg17 : memref<128x128xf32, #tpu.memory_space<vmem>>) offsets(%arg11 : memref<128xi32, #tpu.memory_space<vmem>>) semaphore(%arg21 : memref<!tpu.dma_semaphore, #tpu.memory_space<semaphore_mem>>)
      } else {
      }
      "tpu.region"() ({
        %run_scoped3A = tpu.sem_alloc : memref<!tpu.dma_semaphore, #tpu.memory_space<semaphore_mem>>
        %dma_start3A_102 = arith.constant 0 : i32
        %dma_start3A_103 = arith.constant 0 : i32
        %dma_start3A_104 = tpu.memref_slice %arg18[%dma_start3A_102, %dma_start3A_103] : memref<10000x128xf32, #tpu.memory_space<vmem_shared>> -> memref<10000x128xf32, #tpu.memory_space<vmem_shared>>
        tpu.enqueue_indirect_dma source(%arg15 : memref<128x128xf32, #tpu.memory_space<vmem>>) target(%dma_start3A_104 : memref<10000x128xf32, #tpu.memory_space<vmem_shared>>) offsets(%arg8 : memref<128xi32, #tpu.memory_space<vmem>>) semaphore(%run_scoped3A : memref<!tpu.dma_semaphore, #tpu.memory_space<semaphore_mem>>) {add = true}
        %dma_wait3A_105 = arith.constant 0 : i32
        %dma_wait3A_106 = arith.constant 0 : i32
        %dma_wait3A_107 = tpu.memref_slice %arg18[%dma_wait3A_105, %dma_wait3A_106] : memref<10000x128xf32, #tpu.memory_space<vmem_shared>> -> memref<10000x128xf32, #tpu.memory_space<vmem_shared>>
        tpu.wait_indirect_dma semaphore(%run_scoped3A : memref<!tpu.dma_semaphore, #tpu.memory_space<semaphore_mem>>) src(%arg15 : memref<128x128xf32, #tpu.memory_space<vmem>>) dst(%dma_wait3A_107 : memref<10000x128xf32, #tpu.memory_space<vmem_shared>>)
        tpu.yield
      }) : () -> ()
      %add3A_57 = arith.constant 3 : i32
      %add3A_58 = arith.addi %mul3A_46, %add3A_57 : i32
      %lt3A_59 = arith.constant 78 : i32
      %lt3A_60 = arith.cmpi slt, %add3A_58, %lt3A_59 : i32
      %convert_element_type3A_61 = arith.extui %lt3A_60 : i1 to i32
      %cond3A_62 = arith.constant 0 : i32
      %cond3A_63 = arith.cmpi ne, %convert_element_type3A_61, %cond3A_62 : i32
      scf.if %cond3A_63 {
        %add3A_102 = arith.constant 3 : i32
        %add3A_103 = arith.addi %mul3A_46, %add3A_102 : i32
        %mul3A_104 = arith.constant 128 : i32
        %mul3A_105 = arith.muli %add3A_103, %mul3A_104 : i32
        %add3A_106 = arith.addi %mul3A_2, %mul3A_105 : i32
        %dma_start3A_107 = tpu.memref_slice %arg3[%add3A_106] : memref<320000xi32, #tpu.memory_space<hbm>> -> memref<128xi32, #tpu.memory_space<hbm>>
        %dma_start3A_108 = tpu.memref_slice %arg3[%add3A_106] : memref<320000xi32, #tpu.memory_space<hbm>> -> memref<128xi32, #tpu.memory_space<hbm>>
        tpu.enqueue_dma source(%dma_start3A_108 : memref<128xi32, #tpu.memory_space<hbm>>) target(%arg7 : memref<128xi32, #tpu.memory_space<vmem>>) target_semaphore(%arg22 : memref<!tpu.dma_semaphore, #tpu.memory_space<semaphore_mem>>)
        %dma_start3A_109 = tpu.memref_slice %arg4[%add3A_106] : memref<320000xi32, #tpu.memory_space<hbm>> -> memref<128xi32, #tpu.memory_space<hbm>>
        %dma_start3A_110 = tpu.memref_slice %arg4[%add3A_106] : memref<320000xi32, #tpu.memory_space<hbm>> -> memref<128xi32, #tpu.memory_space<hbm>>
        tpu.enqueue_dma source(%dma_start3A_110 : memref<128xi32, #tpu.memory_space<hbm>>) target(%arg8 : memref<128xi32, #tpu.memory_space<vmem>>) target_semaphore(%arg22 : memref<!tpu.dma_semaphore, #tpu.memory_space<semaphore_mem>>)
      } else {
      }
      %add3A_64 = arith.constant 1 : i32
      %add3A_65 = arith.addi %mul3A_46, %add3A_64 : i32
      %dma_wait3A_66 = arith.constant 0 : i32
      %dma_wait3A_67 = arith.constant 0 : i32
      %dma_wait3A_68 = tpu.memref_slice %arg2[%dma_wait3A_66, %dma_wait3A_67] : memref<10000x128xf32, #tpu.memory_space<hbm>> -> memref<10000x128xf32, #tpu.memory_space<hbm>>
      tpu.wait_indirect_dma semaphore(%arg20 : memref<!tpu.dma_semaphore, #tpu.memory_space<semaphore_mem>>) src(%dma_wait3A_68 : memref<10000x128xf32, #tpu.memory_space<hbm>>) dst(%arg16 : memref<128x128xf32, #tpu.memory_space<vmem>>)
      %add3A_69 = arith.constant 2 : i32
      %add3A_70 = arith.addi %add3A_65, %add3A_69 : i32
      %lt3A_71 = arith.constant 78 : i32
      %lt3A_72 = arith.cmpi slt, %add3A_70, %lt3A_71 : i32
      %convert_element_type3A_73 = arith.extui %lt3A_72 : i1 to i32
      %cond3A_74 = arith.constant 0 : i32
      %cond3A_75 = arith.cmpi ne, %convert_element_type3A_73, %cond3A_74 : i32
      scf.if %cond3A_75 {
        %add3A_102 = arith.constant 2 : i32
        %add3A_103 = arith.addi %add3A_65, %add3A_102 : i32
        %mul3A_104 = arith.constant 128 : i32
        %mul3A_105 = arith.muli %add3A_103, %mul3A_104 : i32
        %add3A_106 = arith.addi %mul3A_2, %mul3A_105 : i32
        %dma_wait3A_107 = tpu.memref_slice %arg3[%add3A_106] : memref<320000xi32, #tpu.memory_space<hbm>> -> memref<128xi32, #tpu.memory_space<hbm>>
        %dma_wait3A_108 = tpu.memref_slice %arg3[%add3A_106] : memref<320000xi32, #tpu.memory_space<hbm>> -> memref<128xi32, #tpu.memory_space<hbm>>
        tpu.wait_dma2 semaphore(%arg22 : memref<!tpu.dma_semaphore, #tpu.memory_space<semaphore_mem>>) src(%dma_wait3A_108 : memref<128xi32, #tpu.memory_space<hbm>>) dst(%arg7 : memref<128xi32, #tpu.memory_space<vmem>>)
        %dma_wait3A_109 = tpu.memref_slice %arg4[%add3A_106] : memref<320000xi32, #tpu.memory_space<hbm>> -> memref<128xi32, #tpu.memory_space<hbm>>
        %dma_wait3A_110 = tpu.memref_slice %arg4[%add3A_106] : memref<320000xi32, #tpu.memory_space<hbm>> -> memref<128xi32, #tpu.memory_space<hbm>>
        tpu.wait_dma2 semaphore(%arg22 : memref<!tpu.dma_semaphore, #tpu.memory_space<semaphore_mem>>) src(%dma_wait3A_110 : memref<128xi32, #tpu.memory_space<hbm>>) dst(%arg8 : memref<128xi32, #tpu.memory_space<vmem>>)
        %dma_start3A_111 = arith.constant 0 : i32
        %dma_start3A_112 = arith.constant 0 : i32
        %dma_start3A_113 = tpu.memref_slice %arg2[%dma_start3A_111, %dma_start3A_112] : memref<10000x128xf32, #tpu.memory_space<hbm>> -> memref<10000x128xf32, #tpu.memory_space<hbm>>
        tpu.enqueue_indirect_dma source(%dma_start3A_113 : memref<10000x128xf32, #tpu.memory_space<hbm>>) target(%arg15 : memref<128x128xf32, #tpu.memory_space<vmem>>) offsets(%arg7 : memref<128xi32, #tpu.memory_space<vmem>>) semaphore(%arg19 : memref<!tpu.dma_semaphore, #tpu.memory_space<semaphore_mem>>)
      } else {
      }
      "tpu.region"() ({
        %run_scoped3A = tpu.sem_alloc : memref<!tpu.dma_semaphore, #tpu.memory_space<semaphore_mem>>
        %dma_start3A_102 = arith.constant 0 : i32
        %dma_start3A_103 = arith.constant 0 : i32
        %dma_start3A_104 = tpu.memref_slice %arg18[%dma_start3A_102, %dma_start3A_103] : memref<10000x128xf32, #tpu.memory_space<vmem_shared>> -> memref<10000x128xf32, #tpu.memory_space<vmem_shared>>
        tpu.enqueue_indirect_dma source(%arg16 : memref<128x128xf32, #tpu.memory_space<vmem>>) target(%dma_start3A_104 : memref<10000x128xf32, #tpu.memory_space<vmem_shared>>) offsets(%arg10 : memref<128xi32, #tpu.memory_space<vmem>>) semaphore(%run_scoped3A : memref<!tpu.dma_semaphore, #tpu.memory_space<semaphore_mem>>) {add = true}
        %dma_wait3A_105 = arith.constant 0 : i32
        %dma_wait3A_106 = arith.constant 0 : i32
        %dma_wait3A_107 = tpu.memref_slice %arg18[%dma_wait3A_105, %dma_wait3A_106] : memref<10000x128xf32, #tpu.memory_space<vmem_shared>> -> memref<10000x128xf32, #tpu.memory_space<vmem_shared>>
        tpu.wait_indirect_dma semaphore(%run_scoped3A : memref<!tpu.dma_semaphore, #tpu.memory_space<semaphore_mem>>) src(%arg16 : memref<128x128xf32, #tpu.memory_space<vmem>>) dst(%dma_wait3A_107 : memref<10000x128xf32, #tpu.memory_space<vmem_shared>>)
        tpu.yield
      }) : () -> ()
      %add3A_76 = arith.constant 3 : i32
      %add3A_77 = arith.addi %add3A_65, %add3A_76 : i32
      %lt3A_78 = arith.constant 78 : i32
      %lt3A_79 = arith.cmpi slt, %add3A_77, %lt3A_78 : i32
      %convert_element_type3A_80 = arith.extui %lt3A_79 : i1 to i32
      %cond3A_81 = arith.constant 0 : i32
      %cond3A_82 = arith.cmpi ne, %convert_element_type3A_80, %cond3A_81 : i32
      scf.if %cond3A_82 {
        %add3A_102 = arith.constant 3 : i32
        %add3A_103 = arith.addi %add3A_65, %add3A_102 : i32
        %mul3A_104 = arith.constant 128 : i32
        %mul3A_105 = arith.muli %add3A_103, %mul3A_104 : i32
        %add3A_106 = arith.addi %mul3A_2, %mul3A_105 : i32
        %dma_start3A_107 = tpu.memref_slice %arg3[%add3A_106] : memref<320000xi32, #tpu.memory_space<hbm>> -> memref<128xi32, #tpu.memory_space<hbm>>
        %dma_start3A_108 = tpu.memref_slice %arg3[%add3A_106] : memref<320000xi32, #tpu.memory_space<hbm>> -> memref<128xi32, #tpu.memory_space<hbm>>
        tpu.enqueue_dma source(%dma_start3A_108 : memref<128xi32, #tpu.memory_space<hbm>>) target(%arg9 : memref<128xi32, #tpu.memory_space<vmem>>) target_semaphore(%arg23 : memref<!tpu.dma_semaphore, #tpu.memory_space<semaphore_mem>>)
        %dma_start3A_109 = tpu.memref_slice %arg4[%add3A_106] : memref<320000xi32, #tpu.memory_space<hbm>> -> memref<128xi32, #tpu.memory_space<hbm>>
        %dma_start3A_110 = tpu.memref_slice %arg4[%add3A_106] : memref<320000xi32, #tpu.memory_space<hbm>> -> memref<128xi32, #tpu.memory_space<hbm>>
        tpu.enqueue_dma source(%dma_start3A_110 : memref<128xi32, #tpu.memory_space<hbm>>) target(%arg10 : memref<128xi32, #tpu.memory_space<vmem>>) target_semaphore(%arg23 : memref<!tpu.dma_semaphore, #tpu.memory_space<semaphore_mem>>)
      } else {
      }
      %add3A_83 = arith.constant 2 : i32
      %add3A_84 = arith.addi %mul3A_46, %add3A_83 : i32
      %dma_wait3A_85 = arith.constant 0 : i32
      %dma_wait3A_86 = arith.constant 0 : i32
      %dma_wait3A_87 = tpu.memref_slice %arg2[%dma_wait3A_85, %dma_wait3A_86] : memref<10000x128xf32, #tpu.memory_space<hbm>> -> memref<10000x128xf32, #tpu.memory_space<hbm>>
      tpu.wait_indirect_dma semaphore(%arg21 : memref<!tpu.dma_semaphore, #tpu.memory_space<semaphore_mem>>) src(%dma_wait3A_87 : memref<10000x128xf32, #tpu.memory_space<hbm>>) dst(%arg17 : memref<128x128xf32, #tpu.memory_space<vmem>>)
      %add3A_88 = arith.constant 2 : i32
      %add3A_89 = arith.addi %add3A_84, %add3A_88 : i32
      %lt3A_90 = arith.constant 78 : i32
      %lt3A_91 = arith.cmpi slt, %add3A_89, %lt3A_90 : i32
      %convert_element_type3A_92 = arith.extui %lt3A_91 : i1 to i32
      %cond3A_93 = arith.constant 0 : i32
      %cond3A_94 = arith.cmpi ne, %convert_element_type3A_92, %cond3A_93 : i32
      scf.if %cond3A_94 {
        %add3A_102 = arith.constant 2 : i32
        %add3A_103 = arith.addi %add3A_84, %add3A_102 : i32
        %mul3A_104 = arith.constant 128 : i32
        %mul3A_105 = arith.muli %add3A_103, %mul3A_104 : i32
        %add3A_106 = arith.addi %mul3A_2, %mul3A_105 : i32
        %dma_wait3A_107 = tpu.memref_slice %arg3[%add3A_106] : memref<320000xi32, #tpu.memory_space<hbm>> -> memref<128xi32, #tpu.memory_space<hbm>>
        %dma_wait3A_108 = tpu.memref_slice %arg3[%add3A_106] : memref<320000xi32, #tpu.memory_space<hbm>> -> memref<128xi32, #tpu.memory_space<hbm>>
        tpu.wait_dma2 semaphore(%arg23 : memref<!tpu.dma_semaphore, #tpu.memory_space<semaphore_mem>>) src(%dma_wait3A_108 : memref<128xi32, #tpu.memory_space<hbm>>) dst(%arg9 : memref<128xi32, #tpu.memory_space<vmem>>)
        %dma_wait3A_109 = tpu.memref_slice %arg4[%add3A_106] : memref<320000xi32, #tpu.memory_space<hbm>> -> memref<128xi32, #tpu.memory_space<hbm>>
        %dma_wait3A_110 = tpu.memref_slice %arg4[%add3A_106] : memref<320000xi32, #tpu.memory_space<hbm>> -> memref<128xi32, #tpu.memory_space<hbm>>
        tpu.wait_dma2 semaphore(%arg23 : memref<!tpu.dma_semaphore, #tpu.memory_space<semaphore_mem>>) src(%dma_wait3A_110 : memref<128xi32, #tpu.memory_space<hbm>>) dst(%arg10 : memref<128xi32, #tpu.memory_space<vmem>>)
        %dma_start3A_111 = arith.constant 0 : i32
        %dma_start3A_112 = arith.constant 0 : i32
        %dma_start3A_113 = tpu.memref_slice %arg2[%dma_start3A_111, %dma_start3A_112] : memref<10000x128xf32, #tpu.memory_space<hbm>> -> memref<10000x128xf32, #tpu.memory_space<hbm>>
        tpu.enqueue_indirect_dma source(%dma_start3A_113 : memref<10000x128xf32, #tpu.memory_space<hbm>>) target(%arg16 : memref<128x128xf32, #tpu.memory_space<vmem>>) offsets(%arg9 : memref<128xi32, #tpu.memory_space<vmem>>) semaphore(%arg20 : memref<!tpu.dma_semaphore, #tpu.memory_space<semaphore_mem>>)
      } else {
      }
      "tpu.region"() ({
        %run_scoped3A = tpu.sem_alloc : memref<!tpu.dma_semaphore, #tpu.memory_space<semaphore_mem>>
        %dma_start3A_102 = arith.constant 0 : i32
        %dma_start3A_103 = arith.constant 0 : i32
        %dma_start3A_104 = tpu.memref_slice %arg18[%dma_start3A_102, %dma_start3A_103] : memref<10000x128xf32, #tpu.memory_space<vmem_shared>> -> memref<10000x128xf32, #tpu.memory_space<vmem_shared>>
        tpu.enqueue_indirect_dma source(%arg17 : memref<128x128xf32, #tpu.memory_space<vmem>>) target(%dma_start3A_104 : memref<10000x128xf32, #tpu.memory_space<vmem_shared>>) offsets(%arg12 : memref<128xi32, #tpu.memory_space<vmem>>) semaphore(%run_scoped3A : memref<!tpu.dma_semaphore, #tpu.memory_space<semaphore_mem>>) {add = true}
        %dma_wait3A_105 = arith.constant 0 : i32
        %dma_wait3A_106 = arith.constant 0 : i32
        %dma_wait3A_107 = tpu.memref_slice %arg18[%dma_wait3A_105, %dma_wait3A_106] : memref<10000x128xf32, #tpu.memory_space<vmem_shared>> -> memref<10000x128xf32, #tpu.memory_space<vmem_shared>>
        tpu.wait_indirect_dma semaphore(%run_scoped3A : memref<!tpu.dma_semaphore, #tpu.memory_space<semaphore_mem>>) src(%arg17 : memref<128x128xf32, #tpu.memory_space<vmem>>) dst(%dma_wait3A_107 : memref<10000x128xf32, #tpu.memory_space<vmem_shared>>)
        tpu.yield
      }) : () -> ()
      %add3A_95 = arith.constant 3 : i32
      %add3A_96 = arith.addi %add3A_84, %add3A_95 : i32
      %lt3A_97 = arith.constant 78 : i32
      %lt3A_98 = arith.cmpi slt, %add3A_96, %lt3A_97 : i32
      %convert_element_type3A_99 = arith.extui %lt3A_98 : i1 to i32
      %cond3A_100 = arith.constant 0 : i32
      %cond3A_101 = arith.cmpi ne, %convert_element_type3A_99, %cond3A_100 : i32
      scf.if %cond3A_101 {
        %add3A_102 = arith.constant 3 : i32
        %add3A_103 = arith.addi %add3A_84, %add3A_102 : i32
        %mul3A_104 = arith.constant 128 : i32
        %mul3A_105 = arith.muli %add3A_103, %mul3A_104 : i32
        %add3A_106 = arith.addi %mul3A_2, %mul3A_105 : i32
        %dma_start3A_107 = tpu.memref_slice %arg3[%add3A_106] : memref<320000xi32, #tpu.memory_space<hbm>> -> memref<128xi32, #tpu.memory_space<hbm>>
        %dma_start3A_108 = tpu.memref_slice %arg3[%add3A_106] : memref<320000xi32, #tpu.memory_space<hbm>> -> memref<128xi32, #tpu.memory_space<hbm>>
        tpu.enqueue_dma source(%dma_start3A_108 : memref<128xi32, #tpu.memory_space<hbm>>) target(%arg11 : memref<128xi32, #tpu.memory_space<vmem>>) target_semaphore(%arg24 : memref<!tpu.dma_semaphore, #tpu.memory_space<semaphore_mem>>)
        %dma_start3A_109 = tpu.memref_slice %arg4[%add3A_106] : memref<320000xi32, #tpu.memory_space<hbm>> -> memref<128xi32, #tpu.memory_space<hbm>>
        %dma_start3A_110 = tpu.memref_slice %arg4[%add3A_106] : memref<320000xi32, #tpu.memory_space<hbm>> -> memref<128xi32, #tpu.memory_space<hbm>>
        tpu.enqueue_dma source(%dma_start3A_110 : memref<128xi32, #tpu.memory_space<hbm>>) target(%arg12 : memref<128xi32, #tpu.memory_space<vmem>>) target_semaphore(%arg24 : memref<!tpu.dma_semaphore, #tpu.memory_space<semaphore_mem>>)
      } else {
      }
    }
    %scan3A_24 = arith.constant 26 : i32
    %add3A_25 = arith.constant 9984 : i32
    %add3A_26 = arith.addi %mul3A_2, %add3A_25 : i32
    "tpu.region"() ({
      %run_scoped3A = tpu.sem_alloc : memref<!tpu.dma_semaphore, #tpu.memory_space<semaphore_mem>>
      %dma_start3A_44 = tpu.memref_slice %arg3[%add3A_26] : memref<320000xi32, #tpu.memory_space<hbm>> -> memref<16xi32, #tpu.memory_space<hbm>>
      %dma_start3A_45 = tpu.memref_slice %arg3[%add3A_26] : memref<320000xi32, #tpu.memory_space<hbm>> -> memref<16xi32, #tpu.memory_space<hbm>>
      tpu.enqueue_dma source(%dma_start3A_45 : memref<16xi32, #tpu.memory_space<hbm>>) target(%arg13 : memref<16xi32, #tpu.memory_space<vmem>>) target_semaphore(%run_scoped3A : memref<!tpu.dma_semaphore, #tpu.memory_space<semaphore_mem>>)
      %dma_wait3A_46 = tpu.memref_slice %arg3[%add3A_26] : memref<320000xi32, #tpu.memory_space<hbm>> -> memref<16xi32, #tpu.memory_space<hbm>>
      %dma_wait3A_47 = tpu.memref_slice %arg3[%add3A_26] : memref<320000xi32, #tpu.memory_space<hbm>> -> memref<16xi32, #tpu.memory_space<hbm>>
      tpu.wait_dma2 semaphore(%run_scoped3A : memref<!tpu.dma_semaphore, #tpu.memory_space<semaphore_mem>>) src(%dma_wait3A_47 : memref<16xi32, #tpu.memory_space<hbm>>) dst(%arg13 : memref<16xi32, #tpu.memory_space<vmem>>)
      tpu.yield
    }) : () -> ()
    "tpu.region"() ({
      %run_scoped3A = tpu.sem_alloc : memref<!tpu.dma_semaphore, #tpu.memory_space<semaphore_mem>>
      %dma_start3A_44 = tpu.memref_slice %arg4[%add3A_26] : memref<320000xi32, #tpu.memory_space<hbm>> -> memref<16xi32, #tpu.memory_space<hbm>>
      %dma_start3A_45 = tpu.memref_slice %arg4[%add3A_26] : memref<320000xi32, #tpu.memory_space<hbm>> -> memref<16xi32, #tpu.memory_space<hbm>>
      tpu.enqueue_dma source(%dma_start3A_45 : memref<16xi32, #tpu.memory_space<hbm>>) target(%arg14 : memref<16xi32, #tpu.memory_space<vmem>>) target_semaphore(%run_scoped3A : memref<!tpu.dma_semaphore, #tpu.memory_space<semaphore_mem>>)
      %dma_wait3A_46 = tpu.memref_slice %arg4[%add3A_26] : memref<320000xi32, #tpu.memory_space<hbm>> -> memref<16xi32, #tpu.memory_space<hbm>>
      %dma_wait3A_47 = tpu.memref_slice %arg4[%add3A_26] : memref<320000xi32, #tpu.memory_space<hbm>> -> memref<16xi32, #tpu.memory_space<hbm>>
      tpu.wait_dma2 semaphore(%run_scoped3A : memref<!tpu.dma_semaphore, #tpu.memory_space<semaphore_mem>>) src(%dma_wait3A_47 : memref<16xi32, #tpu.memory_space<hbm>>) dst(%arg14 : memref<16xi32, #tpu.memory_space<vmem>>)
      tpu.yield
    }) : () -> ()
    %dma_start3A_27 = arith.constant 0 : i32
    %dma_start3A_28 = arith.constant 0 : i32
    %dma_start3A_29 = tpu.memref_slice %arg15[%dma_start3A_27, %dma_start3A_28] : memref<128x128xf32, #tpu.memory_space<vmem>> -> memref<16x128xf32, #tpu.memory_space<vmem>>
    %dma_start3A_30 = arith.constant 0 : i32
    %dma_start3A_31 = arith.constant 0 : i32
    %dma_start3A_32 = tpu.memref_slice %arg2[%dma_start3A_30, %dma_start3A_31] : memref<10000x128xf32, #tpu.memory_space<hbm>> -> memref<10000x128xf32, #tpu.memory_space<hbm>>
    tpu.enqueue_indirect_dma source(%dma_start3A_32 : memref<10000x128xf32, #tpu.memory_space<hbm>>) target(%dma_start3A_29 : memref<16x128xf32, #tpu.memory_space<vmem>>) offsets(%arg13 : memref<16xi32, #tpu.memory_space<vmem>>) semaphore(%arg19 : memref<!tpu.dma_semaphore, #tpu.memory_space<semaphore_mem>>)
    %dma_wait3A = arith.constant 0 : i32
    %dma_wait3A_33 = arith.constant 0 : i32
    %dma_wait3A_34 = tpu.memref_slice %arg15[%dma_wait3A, %dma_wait3A_33] : memref<128x128xf32, #tpu.memory_space<vmem>> -> memref<16x128xf32, #tpu.memory_space<vmem>>
    %dma_wait3A_35 = arith.constant 0 : i32
    %dma_wait3A_36 = arith.constant 0 : i32
    %dma_wait3A_37 = tpu.memref_slice %arg2[%dma_wait3A_35, %dma_wait3A_36] : memref<10000x128xf32, #tpu.memory_space<hbm>> -> memref<10000x128xf32, #tpu.memory_space<hbm>>
    tpu.wait_indirect_dma semaphore(%arg19 : memref<!tpu.dma_semaphore, #tpu.memory_space<semaphore_mem>>) src(%dma_wait3A_37 : memref<10000x128xf32, #tpu.memory_space<hbm>>) dst(%dma_wait3A_34 : memref<16x128xf32, #tpu.memory_space<vmem>>)
    "tpu.region"() ({
      %run_scoped3A = tpu.sem_alloc : memref<!tpu.dma_semaphore, #tpu.memory_space<semaphore_mem>>
      %dma_start3A_44 = arith.constant 0 : i32
      %dma_start3A_45 = arith.constant 0 : i32
      %dma_start3A_46 = tpu.memref_slice %arg15[%dma_start3A_44, %dma_start3A_45] : memref<128x128xf32, #tpu.memory_space<vmem>> -> memref<16x128xf32, #tpu.memory_space<vmem>>
      %dma_start3A_47 = arith.constant 0 : i32
      %dma_start3A_48 = arith.constant 0 : i32
      %dma_start3A_49 = tpu.memref_slice %arg18[%dma_start3A_47, %dma_start3A_48] : memref<10000x128xf32, #tpu.memory_space<vmem_shared>> -> memref<10000x128xf32, #tpu.memory_space<vmem_shared>>
      tpu.enqueue_indirect_dma source(%dma_start3A_46 : memref<16x128xf32, #tpu.memory_space<vmem>>) target(%dma_start3A_49 : memref<10000x128xf32, #tpu.memory_space<vmem_shared>>) offsets(%arg14 : memref<16xi32, #tpu.memory_space<vmem>>) semaphore(%run_scoped3A : memref<!tpu.dma_semaphore, #tpu.memory_space<semaphore_mem>>) {add = true}
      %dma_wait3A_50 = arith.constant 0 : i32
      %dma_wait3A_51 = arith.constant 0 : i32
      %dma_wait3A_52 = tpu.memref_slice %arg15[%dma_wait3A_50, %dma_wait3A_51] : memref<128x128xf32, #tpu.memory_space<vmem>> -> memref<16x128xf32, #tpu.memory_space<vmem>>
      %dma_wait3A_53 = arith.constant 0 : i32
      %dma_wait3A_54 = arith.constant 0 : i32
      %dma_wait3A_55 = tpu.memref_slice %arg18[%dma_wait3A_53, %dma_wait3A_54] : memref<10000x128xf32, #tpu.memory_space<vmem_shared>> -> memref<10000x128xf32, #tpu.memory_space<vmem_shared>>
      tpu.wait_indirect_dma semaphore(%run_scoped3A : memref<!tpu.dma_semaphore, #tpu.memory_space<semaphore_mem>>) src(%dma_wait3A_52 : memref<16x128xf32, #tpu.memory_space<vmem>>) dst(%dma_wait3A_55 : memref<10000x128xf32, #tpu.memory_space<vmem_shared>>)
      tpu.yield
    }) : () -> ()
    %barrier3A_38 = arith.constant 0 : index
    tpu.barrier barrier_id(%barrier3A_38)
    %lt3A_39 = arith.constant 10 : i32
    %lt3A_40 = arith.cmpi slt, %arg1, %lt3A_39 : i32
    %convert_element_type3A_41 = arith.extui %lt3A_40 : i1 to i32
    %cond3A_42 = arith.constant 0 : i32
    %cond3A_43 = arith.cmpi ne, %convert_element_type3A_41, %cond3A_42 : i32
    scf.if %cond3A_43 {
      %scan3A_44 = arith.constant 0 : i32
      %scan3A_45 = arith.constant 0 : i32
      %scan3A_46 = arith.constant 25 : i32
      %scan3A_47 = arith.addi %scan3A_45, %scan3A_46 : i32
      %scan3A_48 = arith.constant 1 : i32
      scf.for %scan3A_50 = %scan3A_45 to %scan3A_47 step %scan3A_48  : i32 {
        %mul3A_51 = arith.constant 1000 : i32
        %mul3A_52 = arith.muli %arg1, %mul3A_51 : i32
        %mul3A_53 = arith.constant 40 : i32
        %mul3A_54 = arith.muli %scan3A_50, %mul3A_53 : i32
        %add3A_55 = arith.addi %mul3A_52, %mul3A_54 : i32
        "tpu.region"() ({
          %run_scoped3A = tpu.sem_alloc : memref<!tpu.dma_semaphore, #tpu.memory_space<semaphore_mem>>
          %dma_start3A_56 = arith.constant 0 : i32
          %dma_start3A_57 = arith.constant 0 : i32
          %dma_start3A_58 = tpu.memref_slice %arg15[%dma_start3A_56, %dma_start3A_57] : memref<128x128xf32, #tpu.memory_space<vmem>> -> memref<40x128xf32, #tpu.memory_space<vmem>>
          %dma_start3A_59 = arith.constant 0 : i32
          %dma_start3A_60 = tpu.memref_slice %arg18[%add3A_55, %dma_start3A_59] : memref<10000x128xf32, #tpu.memory_space<vmem_shared>> -> memref<40x128xf32, #tpu.memory_space<vmem_shared>>
          %dma_start3A_61 = arith.constant 0 : i32
          %dma_start3A_62 = arith.constant 0 : i32
          %dma_start3A_63 = tpu.memref_slice %arg15[%dma_start3A_61, %dma_start3A_62] : memref<128x128xf32, #tpu.memory_space<vmem>> -> memref<40x128xf32, #tpu.memory_space<vmem>>
          %dma_start3A_64 = arith.constant 0 : i32
          %dma_start3A_65 = tpu.memref_slice %arg18[%add3A_55, %dma_start3A_64] : memref<10000x128xf32, #tpu.memory_space<vmem_shared>> -> memref<40x128xf32, #tpu.memory_space<vmem_shared>>
          tpu.enqueue_dma source(%dma_start3A_65 : memref<40x128xf32, #tpu.memory_space<vmem_shared>>) target(%dma_start3A_63 : memref<40x128xf32, #tpu.memory_space<vmem>>) target_semaphore(%run_scoped3A : memref<!tpu.dma_semaphore, #tpu.memory_space<semaphore_mem>>)
          %dma_wait3A_66 = arith.constant 0 : i32
          %dma_wait3A_67 = arith.constant 0 : i32
          %dma_wait3A_68 = tpu.memref_slice %arg15[%dma_wait3A_66, %dma_wait3A_67] : memref<128x128xf32, #tpu.memory_space<vmem>> -> memref<40x128xf32, #tpu.memory_space<vmem>>
          %dma_wait3A_69 = arith.constant 0 : i32
          %dma_wait3A_70 = tpu.memref_slice %arg18[%add3A_55, %dma_wait3A_69] : memref<10000x128xf32, #tpu.memory_space<vmem_shared>> -> memref<40x128xf32, #tpu.memory_space<vmem_shared>>
          %dma_wait3A_71 = arith.constant 0 : i32
          %dma_wait3A_72 = arith.constant 0 : i32
          %dma_wait3A_73 = tpu.memref_slice %arg15[%dma_wait3A_71, %dma_wait3A_72] : memref<128x128xf32, #tpu.memory_space<vmem>> -> memref<40x128xf32, #tpu.memory_space<vmem>>
          %dma_wait3A_74 = arith.constant 0 : i32
          %dma_wait3A_75 = tpu.memref_slice %arg18[%add3A_55, %dma_wait3A_74] : memref<10000x128xf32, #tpu.memory_space<vmem_shared>> -> memref<40x128xf32, #tpu.memory_space<vmem_shared>>
          tpu.wait_dma2 semaphore(%run_scoped3A : memref<!tpu.dma_semaphore, #tpu.memory_space<semaphore_mem>>) src(%dma_wait3A_75 : memref<40x128xf32, #tpu.memory_space<vmem_shared>>) dst(%dma_wait3A_73 : memref<40x128xf32, #tpu.memory_space<vmem>>)
          tpu.yield
        }) : () -> ()
        "tpu.region"() ({
          %run_scoped3A = tpu.sem_alloc : memref<!tpu.dma_semaphore, #tpu.memory_space<semaphore_mem>>
          %dma_start3A_56 = arith.constant 0 : i32
          %dma_start3A_57 = arith.constant 0 : i32
          %dma_start3A_58 = tpu.memref_slice %arg15[%dma_start3A_56, %dma_start3A_57] : memref<128x128xf32, #tpu.memory_space<vmem>> -> memref<40x128xf32, #tpu.memory_space<vmem>>
          %dma_start3A_59 = arith.constant 0 : i32
          %dma_start3A_60 = tpu.memref_slice %arg6[%arg0, %add3A_55, %dma_start3A_59] : memref<2x10000x128xf32, #tpu.memory_space<hbm>> -> memref<1x40x128xf32, #tpu.memory_space<hbm>>
          %dma_start3A_61 = tpu.memref_squeeze %dma_start3A_60 : memref<1x40x128xf32, #tpu.memory_space<hbm>> -> memref<40x128xf32, #tpu.memory_space<hbm>>
          %dma_start3A_62 = arith.constant 0 : i32
          %dma_start3A_63 = tpu.memref_slice %arg6[%arg0, %add3A_55, %dma_start3A_62] : memref<2x10000x128xf32, #tpu.memory_space<hbm>> -> memref<1x40x128xf32, #tpu.memory_space<hbm>>
          %dma_start3A_64 = tpu.memref_squeeze %dma_start3A_63 : memref<1x40x128xf32, #tpu.memory_space<hbm>> -> memref<40x128xf32, #tpu.memory_space<hbm>>
          %dma_start3A_65 = arith.constant 0 : i32
          %dma_start3A_66 = arith.constant 0 : i32
          %dma_start3A_67 = tpu.memref_slice %arg15[%dma_start3A_65, %dma_start3A_66] : memref<128x128xf32, #tpu.memory_space<vmem>> -> memref<40x128xf32, #tpu.memory_space<vmem>>
          tpu.enqueue_dma source(%dma_start3A_67 : memref<40x128xf32, #tpu.memory_space<vmem>>) target(%dma_start3A_64 : memref<40x128xf32, #tpu.memory_space<hbm>>) target_semaphore(%run_scoped3A : memref<!tpu.dma_semaphore, #tpu.memory_space<semaphore_mem>>)
          %dma_wait3A_68 = arith.constant 0 : i32
          %dma_wait3A_69 = arith.constant 0 : i32
          %dma_wait3A_70 = tpu.memref_slice %arg15[%dma_wait3A_68, %dma_wait3A_69] : memref<128x128xf32, #tpu.memory_space<vmem>> -> memref<40x128xf32, #tpu.memory_space<vmem>>
          %dma_wait3A_71 = arith.constant 0 : i32
          %dma_wait3A_72 = tpu.memref_slice %arg6[%arg0, %add3A_55, %dma_wait3A_71] : memref<2x10000x128xf32, #tpu.memory_space<hbm>> -> memref<1x40x128xf32, #tpu.memory_space<hbm>>
          %dma_wait3A_73 = tpu.memref_squeeze %dma_wait3A_72 : memref<1x40x128xf32, #tpu.memory_space<hbm>> -> memref<40x128xf32, #tpu.memory_space<hbm>>
          %dma_wait3A_74 = arith.constant 0 : i32
          %dma_wait3A_75 = tpu.memref_slice %arg6[%arg0, %add3A_55, %dma_wait3A_74] : memref<2x10000x128xf32, #tpu.memory_space<hbm>> -> memref<1x40x128xf32, #tpu.memory_space<hbm>>
          %dma_wait3A_76 = tpu.memref_squeeze %dma_wait3A_75 : memref<1x40x128xf32, #tpu.memory_space<hbm>> -> memref<40x128xf32, #tpu.memory_space<hbm>>
          %dma_wait3A_77 = arith.constant 0 : i32
          %dma_wait3A_78 = arith.constant 0 : i32
          %dma_wait3A_79 = tpu.memref_slice %arg15[%dma_wait3A_77, %dma_wait3A_78] : memref<128x128xf32, #tpu.memory_space<vmem>> -> memref<40x128xf32, #tpu.memory_space<vmem>>
          tpu.wait_dma2 semaphore(%run_scoped3A : memref<!tpu.dma_semaphore, #tpu.memory_space<semaphore_mem>>) src(%dma_wait3A_79 : memref<40x128xf32, #tpu.memory_space<vmem>>) dst(%dma_wait3A_76 : memref<40x128xf32, #tpu.memory_space<hbm>>)
          tpu.yield
        }) : () -> ()
      }
      %scan3A_49 = arith.constant 25 : i32
    } else {
    }
    return
  }
}

module attributes {stable_mosaic.version = 14 : i64} {
  func.func @_lin_body(%arg0: i32, %arg1: memref<1000x128xf32, #tpu.memory_space<vmem>>, %arg2: memref<128x128xf32, #tpu.memory_space<vmem>>, %arg3: memref<1x128xf32, #tpu.memory_space<vmem>>, %arg4: memref<1000x2xf32, #tpu.memory_space<vmem>>, %arg5: memref<1000x128xf32, #tpu.memory_space<vmem>>) attributes {dimension_semantics = [#tpu.dimension_semantics<arbitrary>], iteration_bounds = array<i64: 10>, scalar_prefetch = 0 : i64, scratch_operands = 0 : i64, tpu.core_type = #tpu.core_type<tc>, window_params = [{transform_indices = @transform_0, window_bounds = array<i64: 1000, 128>}, {pipeline_mode = #tpu.pipeline_mode<synchronous>, transform_indices = @transform_1, window_bounds = array<i64: 128, 128>}, {pipeline_mode = #tpu.pipeline_mode<synchronous>, transform_indices = @transform_2, window_bounds = array<i64: 1, 128>}, {transform_indices = @transform_3, window_bounds = array<i64: 1000, 2>}, {transform_indices = @transform_4, window_bounds = array<i64: 1000, 128>}]} {
    %get3A = arith.constant 0 : index
    %get3A_0 = arith.constant 0 : index
    %get3A_1 = vector.load %arg4[%get3A, %get3A_0] : memref<1000x2xf32, #tpu.memory_space<vmem>>, vector<1000x1xf32>
    %get3A_2 = vector.shape_cast %get3A_1 : vector<1000x1xf32> to vector<1000xf32>
    %get3A_3 = arith.constant 0 : index
    %get3A_4 = arith.constant 1 : index
    %get3A_5 = vector.load %arg4[%get3A_3, %get3A_4] : memref<1000x2xf32, #tpu.memory_space<vmem>>, vector<1000x1xf32>
    %get3A_6 = vector.shape_cast %get3A_5 : vector<1000x1xf32> to vector<1000xf32>
    %add3A = arith.addf %get3A_2, %get3A_6 : vector<1000xf32>
    %gt3A = arith.constant 0.000000e+00 : f32
    %gt3A_7 = vector.broadcast %gt3A : f32 to vector<1000xf32>
    %gt3A_8 = arith.cmpf ogt, %add3A, %gt3A_7 : vector<1000xf32>
    %rsqrt3A = math.rsqrt %add3A : vector<1000xf32>
    %jit3A = arith.constant 0.000000e+00 : f32
    %broadcast_in_dim3A = vector.broadcast %jit3A : f32 to vector<1000xf32>
    %select_n3A = arith.select %gt3A_8, %rsqrt3A, %broadcast_in_dim3A : vector<1000xi1>, vector<1000xf32>
    %get3A_9 = arith.constant 0 : index
    %get3A_10 = arith.constant 0 : index
    %get3A_11 = vector.load %arg1[%get3A_9, %get3A_10] : memref<1000x128xf32, #tpu.memory_space<vmem>>, vector<1000x128xf32>
    %get3A_12 = arith.constant 0 : index
    %get3A_13 = arith.constant 0 : index
    %get3A_14 = vector.load %arg2[%get3A_12, %get3A_13] : memref<128x128xf32, #tpu.memory_space<vmem>>, vector<128x128xf32>
    %transpose3A = tpu.transpose %get3A_14, [1, 0] : vector<128x128xf32> -> vector<128x128xf32>
    %dot_general3A = arith.constant dense<0.000000e+00> : vector<1000x128xf32>
    %dot_general3A_15 = tpu.matmul %get3A_11, %transpose3A, %dot_general3A {dimension_numbers = #tpu.dot_dimension_numbers<[1], [0], [0], [1], [0, 0, 1, 1], [], []>, transpose_lhs_hint = false} : vector<1000x128xf32>, vector<128x128xf32>, vector<1000x128xf32> -> vector<1000x128xf32>
    %get3A_16 = arith.constant 0 : index
    %get3A_17 = arith.constant 0 : index
    %get3A_18 = vector.load %arg3[%get3A_16, %get3A_17] : memref<1x128xf32, #tpu.memory_space<vmem>>, vector<1x128xf32>
    %add3A_19 = vector.broadcast %get3A_18 : vector<1x128xf32> to vector<1000x128xf32>
    %add3A_20 = arith.addf %dot_general3A_15, %add3A_19 : vector<1000x128xf32>
    %broadcast_in_dim3A_21 = vector.shape_cast %select_n3A : vector<1000xf32> to vector<1000x1xf32>
    %mul3A = vector.broadcast %broadcast_in_dim3A_21 : vector<1000x1xf32> to vector<1000x128xf32>
    %mul3A_22 = arith.mulf %add3A_20, %mul3A : vector<1000x128xf32>
    %swap3A = arith.constant 0 : index
    %swap3A_23 = arith.constant 0 : index
    %swap3A_24 = vector.load %arg5[%swap3A, %swap3A_23] : memref<1000x128xf32, #tpu.memory_space<vmem>>, vector<1000x128xf32>
    tpu.vector_store %arg5[%swap3A, %swap3A_23], %mul3A_22 {strides = array<i32>} : memref<1000x128xf32, #tpu.memory_space<vmem>>, vector<1000x128xf32>,
    return
  }
  func.func @transform_0(%arg0: i32) -> (i32, i32) {
    %c0_i32 = arith.constant 0 : i32
    %c0_i32_0 = arith.constant 0 : i32
    return %arg0, %c0_i32 : i32, i32
  }
  func.func @transform_1(%arg0: i32) -> (i32, i32) {
    %c0_i32 = arith.constant 0 : i32
    %c0_i32_0 = arith.constant 0 : i32
    %c0_i32_1 = arith.constant 0 : i32
    return %c0_i32, %c0_i32_0 : i32, i32
  }
  func.func @transform_2(%arg0: i32) -> (i32, i32) {
    %c0_i32 = arith.constant 0 : i32
    %c0_i32_0 = arith.constant 0 : i32
    %c0_i32_1 = arith.constant 0 : i32
    return %c0_i32, %c0_i32_0 : i32, i32
  }
  func.func @transform_3(%arg0: i32) -> (i32, i32) {
    %c0_i32 = arith.constant 0 : i32
    %c0_i32_0 = arith.constant 0 : i32
    return %arg0, %c0_i32 : i32, i32
  }
  func.func @transform_4(%arg0: i32) -> (i32, i32) {
    %c0_i32 = arith.constant 0 : i32
    %c0_i32_0 = arith.constant 0 : i32
    return %arg0, %c0_i32 : i32, i32
  }
}

module attributes {stable_mosaic.version = 14 : i64} {
  func.func @_out_body(%arg0: i32, %arg1: memref<2x1000x128xf32, #tpu.memory_space<vmem>>, %arg2: memref<1000x2xf32, #tpu.memory_space<vmem>>, %arg3: memref<1x128xf32, #tpu.memory_space<vmem>>, %arg4: memref<1000x128xf32, #tpu.memory_space<vmem>>) attributes {dimension_semantics = [#tpu.dimension_semantics<arbitrary>], iteration_bounds = array<i64: 10>, scalar_prefetch = 0 : i64, scratch_operands = 0 : i64, tpu.core_type = #tpu.core_type<tc>, window_params = [{transform_indices = @transform_0, window_bounds = array<i64: 2, 1000, 128>}, {transform_indices = @transform_1, window_bounds = array<i64: 1000, 2>}, {pipeline_mode = #tpu.pipeline_mode<synchronous>, transform_indices = @transform_2, window_bounds = array<i64: 1, 128>}, {transform_indices = @transform_3, window_bounds = array<i64: 1000, 128>}]} {
    %get3A = arith.constant 0 : index
    %get3A_0 = arith.constant 0 : index
    %get3A_1 = arith.constant 0 : index
    %get3A_2 = vector.load %arg1[%get3A, %get3A_0, %get3A_1] : memref<2x1000x128xf32, #tpu.memory_space<vmem>>, vector<1x1000x128xf32>
    %get3A_3 = vector.shape_cast %get3A_2 : vector<1x1000x128xf32> to vector<1000x128xf32>
    %get3A_4 = arith.constant 1 : index
    %get3A_5 = arith.constant 0 : index
    %get3A_6 = arith.constant 0 : index
    %get3A_7 = vector.load %arg1[%get3A_4, %get3A_5, %get3A_6] : memref<2x1000x128xf32, #tpu.memory_space<vmem>>, vector<1x1000x128xf32>
    %get3A_8 = vector.shape_cast %get3A_7 : vector<1x1000x128xf32> to vector<1000x128xf32>
    %add3A = arith.addf %get3A_3, %get3A_8 : vector<1000x128xf32>
    %get3A_9 = arith.constant 0 : index
    %get3A_10 = arith.constant 0 : index
    %get3A_11 = vector.load %arg2[%get3A_9, %get3A_10] : memref<1000x2xf32, #tpu.memory_space<vmem>>, vector<1000x1xf32>
    %get3A_12 = vector.shape_cast %get3A_11 : vector<1000x1xf32> to vector<1000xf32>
    %get3A_13 = arith.constant 0 : index
    %get3A_14 = arith.constant 1 : index
    %get3A_15 = vector.load %arg2[%get3A_13, %get3A_14] : memref<1000x2xf32, #tpu.memory_space<vmem>>, vector<1000x1xf32>
    %get3A_16 = vector.shape_cast %get3A_15 : vector<1000x1xf32> to vector<1000xf32>
    %add3A_17 = arith.addf %get3A_12, %get3A_16 : vector<1000xf32>
    %gt3A = arith.constant 0.000000e+00 : f32
    %gt3A_18 = vector.broadcast %gt3A : f32 to vector<1000xf32>
    %gt3A_19 = arith.cmpf ogt, %add3A_17, %gt3A_18 : vector<1000xf32>
    %rsqrt3A = math.rsqrt %add3A_17 : vector<1000xf32>
    %jit3A = arith.constant 0.000000e+00 : f32
    %broadcast_in_dim3A = vector.broadcast %jit3A : f32 to vector<1000xf32>
    %select_n3A = arith.select %gt3A_19, %rsqrt3A, %broadcast_in_dim3A : vector<1000xi1>, vector<1000xf32>
    %broadcast_in_dim3A_20 = vector.shape_cast %select_n3A : vector<1000xf32> to vector<1000x1xf32>
    %mul3A = vector.broadcast %broadcast_in_dim3A_20 : vector<1000x1xf32> to vector<1000x128xf32>
    %mul3A_21 = arith.mulf %add3A, %mul3A : vector<1000x128xf32>
    %get3A_22 = arith.constant 0 : index
    %get3A_23 = arith.constant 0 : index
    %get3A_24 = vector.load %arg3[%get3A_22, %get3A_23] : memref<1x128xf32, #tpu.memory_space<vmem>>, vector<1x128xf32>
    %add3A_25 = vector.broadcast %get3A_24 : vector<1x128xf32> to vector<1000x128xf32>
    %add3A_26 = arith.addf %mul3A_21, %add3A_25 : vector<1000x128xf32>
    %max3A = arith.constant 0.000000e+00 : f32
    %max3A_27 = vector.broadcast %max3A : f32 to vector<1000x128xf32>
    %max3A_28 = arith.maximumf %add3A_26, %max3A_27 : vector<1000x128xf32>
    %swap3A = arith.constant 0 : index
    %swap3A_29 = arith.constant 0 : index
    %swap3A_30 = vector.load %arg4[%swap3A, %swap3A_29] : memref<1000x128xf32, #tpu.memory_space<vmem>>, vector<1000x128xf32>
    tpu.vector_store %arg4[%swap3A, %swap3A_29], %max3A_28 {strides = array<i32>} : memref<1000x128xf32, #tpu.memory_space<vmem>>, vector<1000x128xf32>,
    return
  }
  func.func @transform_0(%arg0: i32) -> (i32, i32, i32) {
    %c0_i32 = arith.constant 0 : i32
    %c0_i32_0 = arith.constant 0 : i32
    %c0_i32_1 = arith.constant 0 : i32
    return %c0_i32, %arg0, %c0_i32_0 : i32, i32, i32
  }
  func.func @transform_1(%arg0: i32) -> (i32, i32) {
    %c0_i32 = arith.constant 0 : i32
    %c0_i32_0 = arith.constant 0 : i32
    return %arg0, %c0_i32 : i32, i32
  }
  func.func @transform_2(%arg0: i32) -> (i32, i32) {
    %c0_i32 = arith.constant 0 : i32
    %c0_i32_0 = arith.constant 0 : i32
    %c0_i32_1 = arith.constant 0 : i32
    return %c0_i32, %c0_i32_0 : i32, i32
  }
  func.func @transform_3(%arg0: i32) -> (i32, i32) {
    %c0_i32 = arith.constant 0 : i32
    %c0_i32_0 = arith.constant 0 : i32
    return %arg0, %c0_i32 : i32, i32
  }
}

</mosaic_0001>

<sc_bundles>
// kernel: kernel.6.cloned.1.call-start
scs
__scs_entry_jumppad:
0x0: {  	(pc) =	sbr.rel $0x88, $3  }
0x1: {  	(tag) =	ssettag $0x0;
	lr =	simm.s32 $0x1  }
0x2: {  	[smem:$0x3F9C] =	sst lr;
	_ =	strace $0xD0000000  }
0x3: {  	_ = 	snop  }
0x4: {  	_ = 	snop  }
0x5: {  	_ = 	snop  }
0x6: {  	_ = 	snop  }
0x7: {  	_ = 	snop  }
__scs_overlays_trampoline_lowered:
0x8: {  	[smem:$0x3FAB] =	sst s0  }
0x9: {  	[smem:$0x3FAC] =	sst s1  }
0xa: {  	[smem:$0x3FAD] =	sst s2  }
0xb: {  	[smem:$0x3FAE] =	sst s3  }
0xc: {  	[smem:$0x3FAF] =	sst s4  }
0xd: {  	[smem:$0x3FB0] =	sst s5  }
0xe: {  	[smem:$0x3FB1] =	sst s6  }
0xf: {  	[smem:$0x3FB2] =	sst s7  }
0x10: {  	[smem:$0x3FB3] =	sst s8  }
0x11: {  	[smem:$0x3FB4] =	sst s9;
	s0 =	simm.s32 @!p0 $0x0  }
0x12: {  	s1 =	sld [smem:$0x3F9A];
	s0 =	simm.s32 @p0 $0x1  }
0x13: {  	[smem:$0x3FB5] =	sst s0;
	s0 =	simm.s32 @!p1 $0x0  }
0x14: {  	s2 =	sld [smem:$0x3F99];
	s0 =	simm.s32 @p1 $0x1  }
0x15: {  	[smem:$0x3FB6] =	sst s0;
	s0 =	simm.s32 @!p2 $0x0  }
0x16: {  	s3 =	sld [smem:$0x3FDB];
	s0 =	simm.s32 @p2 $0x1  }
0x17: {  	s4 =	simm.s32 $0x1BF5;
	[smem:$0x3FB8] =	sst s0  }
0x18: {  	s0 =	sld [smem:$0x3F9B];
	_ =	swait.ge [sflag:s4], $0x0  }
0x19: {  	s7 =	sld [smem:$0x3F9C]  }
0x1a: {  	s8 =	sadd.s32 $0xFFFFE003, lr  }
0x1b: {  	s9 =	sadd.s32 $0xFFFFFEF7, lr;
	s5 =	simm.s32 $0xFFFFFFFF;
	p2 =	slt.u32 s8, $0xFFFFF086  }
0x1c: {  	p1 =	slt.u32 s9, $0xF7A;
	s5 =	simm.s32 @!p2 $0x0  }
0x1d: {  	s5 =	simm.s32 @p1 $0x1;
	p0 =	seq.s32 s7, s2  }
0x1e: {  	s7 =	smul.u32 @!p0 $0xF7A, s2;
	p2 =	seq.s32 @!p0 s5, $0x0  }
0x1f: {  	s9 =	smul.u32 $0xF7A, s1;
	s8 =	simm.s32 @!p0 $0x1BF5;
	p2 =	por !p2, p0  }
0x20: {  	[sflag:s8] =	ssyncset.s32 @!p0 $0xFFFFF086;
	s6 =	sadd.s32 @!p0 s3, s7;
	s7 =	simm.s32 @!p0 $0x108  }
0x21: {  	s3 =	sadd.s32 s3, s9;
	s6 =	sadd.s32 @!p0 $0x88, s6;
	s7 =	simm.s32 @p2 $0x1082  }
0x22: {  	[simem:s7], [sflag:s8] =	dma.local @!p0 [hbm:s6], $0xF7A  }
0x23: {  	s9 =	sor.u32 $0xD0000000, s2;
	s6 =	simm.s32 $0x108;
	_ =	swait.ge @!p0 [sflag:s8], $0x0  }
0x24: {  	s3 =	sadd.s32 $0x88, s3;
	s6 =	simm.s32 @!p1 $0x1082;
	[sflag:s4] =	ssyncset.s32 $0xFFFFF086  }
0x25: {  	[simem:s6], [sflag:s4] =	dma.local [hbm:s3], $0xF7A  }
0x26: {  	[smem:$0x3F9C] =	sst s1;
	(tag) =	ssettag s2;
	_ =	strace s9  }
0x27: {  	s1 =	sld [smem:$0x3FAC]  }
0x28: {  	s2 =	sld [smem:$0x3FAD]  }
0x29: {  	s4 =	sld [smem:$0x3FAF]  }
0x2a: {  	p0 =	seq.s32 s5, $0x0;
	s5 =	sld [smem:$0x3FB0]  }
0x2b: {  	s6 =	sld [smem:$0x3FB1]  }
0x2c: {  	s7 =	sld [smem:$0x3FB2]  }
0x2d: {  	s3 =	simm.s32 $0x108;
	s8 =	sld [smem:$0x3FB3]  }
0x2e: {  	s3 =	simm.s32 @!p0 $0x1082;
	s9 =	sld [smem:$0x3FB4]  }
0x2f: {  	lr =	sadd.s32 s0, s3;
	s0 =	sld [smem:$0x3FAB]  }
0x30: {  	s3 =	sld [smem:$0x3FAE]  }
0x31: {  	[smem:$0x3FB7] =	sst s10  }
0x32: {  	s10 =	sld [smem:$0x3FB5];
	_ =	sdelay $0x3  }
0x33: {  	p0 =	seq.s32 s10, $0x1;
	s10 =	sld [smem:$0x3FB7];
	_ =	sdelay $0x3  }
0x34: {  	[smem:$0x3FB7] =	sst s10  }
0x35: {  	s10 =	sld [smem:$0x3FB6];
	_ =	sdelay $0x3  }
0x36: {  	p1 =	seq.s32 s10, $0x1;
	s10 =	sld [smem:$0x3FB7];
	_ =	sdelay $0x3  }
0x37: {  	[smem:$0x3FB7] =	sst s10  }
0x38: {  	s10 =	sld [smem:$0x3FB8]  }
0x39: {  	_ = 	snop;
	(pc) =	sbr.ind lr, $3  }
0x3a: {  	_ = 	snop  }
0x3b: {  	_ = 	snop  }
0x3c: {  	p2 =	seq.s32 s10, $0x1;
	s10 =	sld [smem:$0x3FB7]  }
0x3d: {  	_ =	shalt  }
0x3e: {  	_ =	shalt  }
0x3f: {  	_ =	shalt  }
0x40: {  	_ =	shalt  }
0x41: {  	_ =	shalt  }
0x42: {  	_ =	shalt  }
0x43: {  	_ =	shalt  }
0x44: {  	_ =	shalt  }
0x45: {  	_ =	shalt  }
0x46: {  	_ =	shalt  }
0x47: {  	_ =	shalt  }
0x48: {  	_ =	shalt  }
0x49: {  	_ =	shalt  }
0x4a: {  	_ =	shalt  }
0x4b: {  	_ =	shalt  }
0x4c: {  	_ =	shalt  }
0x4d: {  	_ =	shalt  }
0x4e: {  	_ =	shalt  }
0x4f: {  	_ =	shalt  }
0x50: {  	_ =	shalt  }
0x51: {  	_ =	shalt  }
0x52: {  	_ =	shalt  }
0x53: {  	_ =	shalt  }
0x54: {  	_ =	shalt  }
0x55: {  	_ =	shalt  }
0x56: {  	_ =	shalt  }
0x57: {  	_ =	shalt  }
0x58: {  	_ =	shalt  }
0x59: {  	_ =	shalt  }
0x5a: {  	_ =	shalt  }
0x5b: {  	_ =	shalt  }
0x5c: {  	_ =	shalt  }
0x5d: {  	_ =	shalt  }
0x5e: {  	_ =	shalt  }
0x5f: {  	_ =	shalt  }
0x60: {  	_ =	shalt  }
0x61: {  	_ =	shalt  }
0x62: {  	_ =	shalt  }
0x63: {  	_ =	shalt  }
0x64: {  	_ =	shalt  }
0x65: {  	_ =	shalt  }
0x66: {  	_ =	shalt  }
0x67: {  	_ =	shalt  }
0x68: {  	_ =	shalt  }
0x69: {  	_ =	shalt  }
0x6a: {  	_ =	shalt  }
0x6b: {  	_ =	shalt  }
0x6c: {  	_ =	shalt  }
0x6d: {  	_ =	shalt  }
0x6e: {  	_ =	shalt  }
0x6f: {  	_ =	shalt  }
0x70: {  	_ =	shalt  }
0x71: {  	_ =	shalt  }
0x72: {  	_ =	shalt  }
0x73: {  	_ =	shalt  }
0x74: {  	_ =	shalt  }
0x75: {  	_ =	shalt  }
0x76: {  	_ =	shalt  }
0x77: {  	_ =	shalt  }
0x78: {  	_ =	shalt  }
0x79: {  	_ =	shalt  }
0x7a: {  	_ =	shalt  }
0x7b: {  	_ =	shalt  }
0x7c: {  	_ =	shalt  }
0x7d: {  	_ =	shalt  }
0x7e: {  	_ =	shalt  }
0x7f: {  	_ =	shalt  }
0x80: {  	_ =	shalt  }
0x81: {  	_ =	shalt  }
0x82: {  	_ =	shalt  }
0x83: {  	_ =	shalt  }
0x84: {  	_ =	shalt  }
0x85: {  	_ =	shalt  }
0x86: {  	_ =	shalt  }
0x87: {  	_ =	shalt  }
.Lfunc_end0:
.L_simem_size_0:
called_computation_lowered:
.L_overlay_start_0:
0x88: {  	s2 =	sld [smem:$0x3FD9]  }
0x89: {  	s3 =	sld [smem:$0x3FFE];
	_ =	sdelay $0x1  }
0x8a: {  	s1 =	srdreg.scid  }
0x8b: {  	s0 =	sand.u32 $0x1, s1  }
0x8c: {  	s17 =	sshll.u32 s0, $0xA;
	s2 =	sadd.s32 s3, s2  }
0x8d: {  	s2 =	sadd.s32 s2, s17  }
0x8e: {  	[smem:$0x3FC3] =	sst s2  }
0x8f: {  	_ = 	snop  }
0x90: {  	s2 =	sld [smem:$0x3FD0];
	(tm) =	ssettm $0x1  }
0x91: {  	s18 =	sld [smem:$0x3FFB];
	_ =	sdelay $0x3  }
0x92: {  	_ =	strace s18  }
0x93: {  	s3 =	sld [smem:$0x3FFC];
	_ =	sdelay $0x3  }
0x94: {  	_ =	strace s3  }
0x95: {  	s3 =	sld [smem:$0x3FFD];
	_ =	sdelay $0x3  }
0x96: {  	_ =	strace s3  }
0x97: {  	_ =	strace $0x8FFFFFFF  }
0x98: {  	s19 =	sld [smem:$0x3FDB];
	_ =	sdelay $0x1  }
0x99: {  	s4 =	simm.s32 $_scs_section_size  }
0x9a: {  	s5 =	simm.s32 $_size__tile_overlayer_lowered;
	s6 =	simm.s32 $_tile_overlayer_lowered  }
0x9b: {  	s22 =	simm.s32 $0x1BFF;
	s21 =	sshll.u32 s6, $0x1;
	s3 =	sadd.s32 s4, s19  }
0x9c: {  	s7 =	simm.s32 $0x0;
	s20 =	sshll.u32 s5, $0x1;
	s5 =	sadd.s32 s21, s3  }
0x9d: {  	[timem:s7], [sflag:s22] =	dma.local [hbm:s5], s20  }
0x9e: {  	_ =	swait.ge [sflag:s22], s20  }
0x9f: {  	s4 =	ssub.s32 $0x0, s20;
	[sflag:s22] =	ssyncset.done $0x0  }
0xa0: {  	[sflag:s22] =	ssyncadd.s32 s4;
	_ =	sdelay $0x1  }
0xa1: {  	s23 =	simm.s32 $0x1B8B  }
0xa2: {  	_ =	swait.ge [sflag:s23], $0x1  }
0xa3: {  	[sflag:s23] =	ssyncset.done $0x0  }
0xa4: {  	s25 =	simm.s32 $0x1B8E;
	s24 =	sld [smem:$0x3FFE];
	[sflag:s23] =	ssyncadd.s32 $0xFFFFFFFF  }
0xa5: {  	s26 =	simm.s32 $execute0_lowered;
	[smem:$0x3FD2] =	sst s25  }
0xa6: {  	s5 =	sshll.u32 s26, $0x1;
	_ =	strace $0x80000046;
	[dreg:$0x1] =	wrdreg $0xFFFFFFFF  }
0xa7: {  	s28 =	simm.s32 $_size_execute0_lowered;
	s3 =	sadd.s32 s3, s5;
	[dreg:$0x0] =	wrdreg $0x0  }
0xa8: {  	s5 =	sshll.u32 s28, $0x1;
	[dreg:$0x2] =	wrdreg s3  }
0xa9: {  	[dreg:$0x3] =	wrdreg s5  }
0xaa: {  	[dreg:$0x4] =	wrdreg $0xC0  }
0xab: {  	_ =	task [dreg:s7], $0x5FFFF  }
0xac: {  	[dreg:$0x1] =	wrdreg $0xFFFFFFFF  }
0xad: {  	[dreg:$0x0] =	wrdreg $0x60  }
0xae: {  	[dreg:$0x2] =	wrdreg s2  }
0xaf: {  	[dreg:$0x3] =	wrdreg s24  }
0xb0: {  	[dreg:$0x4] =	wrdreg $0x2C800  }
0xb1: {  	[dreg:$0x5] =	wrdreg $0x9  }
0xb2: {  	_ =	task.clear_ibuf [dreg:s7], $0x6FFFF;
	_ =	strace $0x90000046  }
0xb3: {  	s29 =	simm.s32 $0x9;
	_ =	strace $0x80000048  }
0xb4: {  	_ =	swait.ge [sflag:s29], $0x1  }
0xb5: {  	[sflag:s29] =	ssyncadd.s32 $0xFFFFFFFF  }
0xb6: {  	_ =	strace $0x90000048  }
0xb7: {  	_ =	sfence  }
0xb8: {  	s30 =	sld [smem:$0x0];
	_ =	sdelay $0x2  }
0xb9: {  	s31 =	sshll.u32 s1, $0xD;
	s1 =	sshrl.u32 s1, $0x2  }
0xba: {  	s3 =	sand.u32 $0x4000, s31;
	s1 =	sadd.s32 s1, s30  }
0xbb: {  	s0 =	sor.u32 s3, s0;
	s1 =	sshll.u32 s1, $0x11  }
0xbc: {  	s0 =	sor.u32 s1, s0  }
0xbd: {  	s0 =	sadd.s32 $0x8F2B, s0  }
0xbe: {  	[sflag:s0] =	ssyncadd.remote.s32 $0x1  }
0xbf: {  	_ =	sfence.sel $0xFFFF  }
0xc0: {  	[dreg:$0x0] =	wrdreg $0xFFFFFFFF;
	(pc) =	sbr.abs _section_cstart, $3  }
0xc1: {  	[dreg:$0x1] =	wrdreg $0xFFFFFFFF  }
0xc2: {  	_ =	task.clear_ibuf [dreg:s7], $0x2FFFF;
	_ =	strace $0x9FFFFFFF  }
0xc3: {  	(tm) =	ssettm $0x7FFFFFFF  }
tec
execute0_lowered:
.L_overlay_start_1:
0x0: {  	(tag) =	ssettag $0x1  }
0x1: {  	s8 =	rddreg [dreg:$0x0]  }
0x2: {  	s6 =	rddreg [dreg:$0x1]  }
0x3: {  	s2 =	rddreg [dreg:$0x2]  }
0x4: {  	s0 =	rddreg [dreg:$0x3]  }
0x5: {  	s4 =	srdreg.scid;
	s1 =	stileid.u32  }
0x6: {  	s3 =	simm.s32 $0x0;
	s14 =	simm.s32 $0x80;
	s15 =	simm.s32 $0x1  }
0x7: {  	s16 =	simm.s32 $0x0;
	s7 =	sand.u32 $0x1, s4;
	s9 =	smul.u32 $0x3E8, s1  }
0x8: {  	[smem:$0x7FF] =	sst s3;
	s4 =	sadd.s32 $0x15000, s6;
	s12 =	smul.u32 $0xFA0, s1  }
0x9: {  	s5 =	sadd.s32 $0x15200, s6;
	p0 =	sgt.u32 s1, $0x9;
	s10 =	smul.u32 $0x2710, s7  }
0xa: {  	_ =	strace $0x80000047;
	s11 =	sshll.u32 s7, $0x4;
	s29 =	ssub.s32 $0x2, s7  }
0xb: {  	p1 =	sne.s32 @p0 s1, $0xA;
	s30 =	sor.u32 s1, s11;
	s31 =	sshrl.u32 s29, $0x1  }
0xc: {  	s12 =	sshrl.u32 s12, $0x2;
	p1 =	por p1, !p0;
	s10 =	sadd.s32 s9, s10  }
0xd: {  	s13 =	smul.u32 $0x500, s30;
	s11 =	ssub.s32 s29, s31;
	s7 =	sadd.s32 s12, s2  }
0xe: {  	s9 =	sadd.s32 s9, s2;
	s12 =	simm.s32 $0x2800;
	s10 =	sshrl.u32 s10, $0x3  }
0xf: {  	s11 =	smax.u32 s11, $0x1;
	s10 =	sadd.s32 s10, s6;
	s6 =	sadd.s32 $0x2710, s2  }
0x10: {  	s8 =	sadd.s32 s8, s13;
	s13 =	simm.s32 $0x2;
	s10 =	sadd.s32 $0x15400, s10  }
.LBB2_1:
0x11: {  	s17 =	simm.s32 @!p1 $0x0;
	s18 =	simm.s32 @!p1 $0x2880  }
0x12: {  	[tilespmem:s18], [sflag:$0x2] =	stream.linear.gather @!p1 [hbm4b:s5+s17], $0x80, $0x38;
	[tilespmem:$0x2F00] =	vst v63  }
0x13: {  	s17 =	simm.s32 @!p1 $0x2  }
0x14: {  	_ =	swait.ge @!p1 [sflag:s17], $0x80  }
0x15: {  	[sflag:s17] =	ssyncset.done @!p1 $0x0  }
0x16: {  	[sflag:s17] =	ssyncadd.s32 @!p1 $0xFFFFFF80  }
0x17: {  	[spmem:s6] =	stream.linear.scatter @!p1 [tilespmem:s18], [sflag:$0x2], $0x80, $0x38;
	[tilespmem:$0x2F00] =	vst v63  }
0x18: {  	_ =	swait.ge @!p1 [sflag:s17], $0x80  }
0x19: {  	[sflag:s17] =	ssyncset.done @!p1 $0x0  }
0x1a: {  	s18 =	simm.s32 @!p0 $0x2880;
	[sflag:s17] =	ssyncadd.s32 @!p1 $0xFFFFFF80;
	s17 =	simm.s32 @!p0 $0x0  }
0x1b: {  	[tilespmem:s18], [sflag:$0x2] =	stream.linear.gather @!p0 [hbm4b:s5+s17], $0x400, $0x38;
	[tilespmem:$0x2F00] =	vst v63  }
0x1c: {  	s17 =	simm.s32 @!p0 $0x2  }
0x1d: {  	_ =	swait.ge @!p0 [sflag:s17], $0x400  }
0x1e: {  	[sflag:s17] =	ssyncset.done @!p0 $0x0  }
0x1f: {  	[sflag:s17] =	ssyncadd.s32 @!p0 $0xFFFFFC00  }
0x20: {  	[spmem:s7] =	stream.linear.scatter @!p0 [tilespmem:s18], [sflag:$0x2], $0x3E8, $0x38;
	[tilespmem:$0x2F00] =	vst v63  }
0x21: {  	_ =	swait.ge @!p0 [sflag:s17], $0x3E8  }
0x22: {  	[sflag:s17] =	ssyncset.done @!p0 $0x0  }
0x23: {  	[sflag:s17] =	ssyncadd.s32 @!p0 $0xFFFFFC18  }
0x24: {  	[tilespmem:s12], [sflag:$0x2] =	stream.linear.gather [hbm4b:s4+s3], $0x80, $0x38;
	[tilespmem:$0x2F00] =	vst v63  }
0x25: {  	_ =	swait.ge [sflag:s13], $0x80  }
0x26: {  	[sflag:s13] =	ssyncset.done $0x0  }
0x27: {  	[sflag:s13] =	ssyncadd.s32 $0xFFFFFF80  }
0x28: {  	[tilespmem:s3], [sflag:$0x2] =	stream.linear.gather [hbm4b:s8+s3], $0x2800, $0x38;
	[tilespmem:$0x2F00] =	vst v63  }
0x29: {  	_ =	swait.ge [sflag:s13], $0x2800  }
0x2a: {  	[sflag:s13] =	ssyncset.done $0x0  }
0x2b: {  	p2 =	por $0x1, $0x1;
	[sflag:s13] =	ssyncadd.s32 $0xFFFFD800  }
0x2c: {  	s19 =	simm.s32 @!p2 $0x1;
	[bflag:$0x0] =	sbarrier.arrive $0xFFFF  }
0x2d: {  	[spmem:s2] =	stream.indirect.scatter.add.f32 [tilespmem:s12], [sflag:$0x1], $0x1, s3, s14, $0xb8;
	[tilespmem:$0x2F00] =	vst v63  }
0x2e: {  	_ =	swait.ge @!p2 [sflag:s19], $0x80  }
0x2f: {  	s18 =	simm.s32 $0x0;
	s17 =	simm.s32 $0x1;
	[sflag:s19] =	ssyncset.done @!p2 $0x0  }
.LBB2_2:
0x30: {  	[sflag:s19] =	ssyncadd.s32 @!p2 $0xFFFFFF80  }
0x31: {  	s18 =	sadd.s32 $0x80, s18;
	s19 =	smov.u32 s17;
	s17 =	sadd.s32 $0x1, s17  }
0x32: {  	p3 =	sne.s32 s17, $0x50  }
0x33: {  	[spmem:s2] =	stream.indirect.scatter.add.f32 [tilespmem:s12], [sflag:$0x1], $0x1, s18, s14, $0xb8;
	[tilespmem:$0x2F00] =	vst v63  }
.Ltmp0:
0x34: {  	_ = 	snop;
	(pc) =	sbr.rel @p3 .LBB2_2-.Ltmp0, $4  }
0x35: {  	p2 =	slt.u32 s19, $0x8  }
0x36: {  	s19 =	simm.s32 @!p2 $0x1  }
0x37: {  	_ =	swait.ge @!p2 [sflag:s19], $0x80  }
0x38: {  	[sflag:s19] =	ssyncset.done @!p2 $0x0  }
0x39: {  	[sflag:s19] =	ssyncadd.s32 @!p2 $0xFFFFFF80  }
0x3a: {  	_ =	swait.ge [sflag:s15], $0x80  }
0x3b: {  	[sflag:s15] =	ssyncset.done $0x0  }
0x3c: {  	[sflag:s15] =	ssyncadd.s32 $0xFFFFFF80  }
0x3d: {  	_ =	swait.ge [sflag:s15], $0x80  }
0x3e: {  	[sflag:s15] =	ssyncset.done $0x0  }
0x3f: {  	[sflag:s15] =	ssyncadd.s32 $0xFFFFFF80  }
0x40: {  	_ =	swait.ge [sflag:s15], $0x80  }
0x41: {  	[sflag:s15] =	ssyncset.done $0x0  }
0x42: {  	[sflag:s15] =	ssyncadd.s32 $0xFFFFFF80  }
0x43: {  	_ =	swait.ge [sflag:s15], $0x80  }
0x44: {  	[sflag:s15] =	ssyncset.done $0x0  }
0x45: {  	[sflag:s15] =	ssyncadd.s32 $0xFFFFFF80  }
0x46: {  	_ =	swait.ge [sflag:s15], $0x80  }
0x47: {  	[sflag:s15] =	ssyncset.done $0x0  }
0x48: {  	[sflag:s15] =	ssyncadd.s32 $0xFFFFFF80  }
0x49: {  	_ =	swait.ge [sflag:s15], $0x80  }
0x4a: {  	[sflag:s15] =	ssyncset.done $0x0  }
0x4b: {  	[sflag:s15] =	ssyncadd.s32 $0xFFFFFF80  }
0x4c: {  	_ =	swait.ge [sflag:s15], $0x80  }
0x4d: {  	[sflag:s15] =	ssyncset.done $0x0  }
0x4e: {  	[sflag:s15] =	ssyncadd.s32 $0xFFFFFF80  }
0x4f: {  	_ =	swait.ge [sflag:s15], $0x80  }
0x50: {  	[sflag:s15] =	ssyncset.done $0x0  }
0x51: {  	[sflag:s15] =	ssyncadd.s32 $0xFFFFFF80  }
0x52: {  	s17 =	simm.s32 @!p0 $0x2880;
	s18 =	simm.s32 @!p0 $0x2;
	[bflag:$0x0] =	sbarrier.arrive $0xFFFF  }
0x53: {  	[tilespmem:s17], [sflag:$0x2] =	stream.linear.gather @!p0 [spmem:s9], $0x3E8, $0x38;
	[tilespmem:$0x2F00] =	vst v63  }
0x54: {  	s16 =	sadd.s32 $0x1, s16;
	_ =	swait.ge @!p0 [sflag:s18], $0x3E8  }
0x55: {  	p2 =	sne.s32 s16, s11;
	[sflag:s18] =	ssyncset.done @!p0 $0x0  }
.Ltmp1:
0x56: {  	s19 =	simm.s32 @!p0 $0x0;
	[sflag:s18] =	ssyncadd.s32 @!p0 $0xFFFFFC18;
	(pc) =	sbr.rel @p2 .LBB2_1-.Ltmp1, $4  }
0x57: {  	[hbm4b:s10+s19] =	stream.linear.scatter @!p0 [tilespmem:s17], [sflag:$0x2], $0x3E8, $0x38;
	[tilespmem:$0x2F00] =	vst v63  }
0x58: {  	_ =	swait.ge @!p0 [sflag:s18], $0x3E8  }
0x59: {  	[sflag:s18] =	ssyncset.done @!p0 $0x0  }
0x5a: {  	[sflag:s18] =	ssyncadd.s32 @!p0 $0xFFFFFC18  }
0x5b: {  	_ =	sfence.sel $0x180000  }
0x5c: {  	[bflag:$0x0] =	sbarrier.arrive $0xFFFF  }
0x5d: {  	p0 =	sne.s32 s1, $0x0;
	_ =	strace $0x90000047  }
0x5e: {  	s0 =	sadd.s32 @!p0 $0x100000, s0;
	[bflag:$0x2] =	sbarrier.arrive $0xFFFF  }
0x5f: {  	[sflag:s0] =	ssyncadd.tile.s32 @!p0 $0x1;
	_ =	shalt  }
.Lfunc_end2:
_tile_overlayer_lowered:
.L_overlay_start_2:
0x60: {  	(tag) =	ssettag $0x2  }
0x61: {  	s0 =	rddreg [dreg:$0x0];
	s2 =	stileid.u32  }
0x62: {  	s1 =	rddreg [dreg:$0x1];
	p0 =	sne.s32 s2, $0x0  }
0x63: {  	s3 =	rddreg [dreg:$0x2];
	[bflag:$0x3] =	sbarrier.arrive $0xFFFF;
	s2 =	simm.s32 @!p0 $0x1C02  }
0x64: {  	[timem:s3], [sflag:s2] =	dma.local @!p0 [hbm:s0], s1  }
0x65: {  	s0 =	simm.s32 @!p0 $0x2  }
0x66: {  	_ =	swait.ge @!p0 [sflag:s0], s1  }
0x67: {  	s1 =	ssub.s32 @!p0 $0x0, s1;
	[sflag:s0] =	ssyncset.done @!p0 $0x0  }
0x68: {  	[sflag:s0] =	ssyncadd.s32 @!p0 s1  }
0x69: {  	[bflag:$0x3] =	sbarrier.arrive $0xFFFF  }
0x6a: {  	_ =	shalt  }

// kernel: kernel.9.cloned.1.call-start
scs
__scs_entry_jumppad:
0x0: {  	(pc) =	sbr.rel $0x88, $3  }
0x1: {  	(tag) =	ssettag $0x0;
	lr =	simm.s32 $0x1  }
0x2: {  	[smem:$0x3F9C] =	sst lr;
	_ =	strace $0xD0000000  }
0x3: {  	_ = 	snop  }
0x4: {  	_ = 	snop  }
0x5: {  	_ = 	snop  }
0x6: {  	_ = 	snop  }
0x7: {  	_ = 	snop  }
__scs_overlays_trampoline_lowered:
0x8: {  	[smem:$0x3FAB] =	sst s0  }
0x9: {  	[smem:$0x3FAC] =	sst s1  }
0xa: {  	[smem:$0x3FAD] =	sst s2  }
0xb: {  	[smem:$0x3FAE] =	sst s3  }
0xc: {  	[smem:$0x3FAF] =	sst s4  }
0xd: {  	[smem:$0x3FB0] =	sst s5  }
0xe: {  	[smem:$0x3FB1] =	sst s6  }
0xf: {  	[smem:$0x3FB2] =	sst s7  }
0x10: {  	[smem:$0x3FB3] =	sst s8  }
0x11: {  	[smem:$0x3FB4] =	sst s9;
	s0 =	simm.s32 @!p0 $0x0  }
0x12: {  	s1 =	sld [smem:$0x3F9A];
	s0 =	simm.s32 @p0 $0x1  }
0x13: {  	[smem:$0x3FB5] =	sst s0;
	s0 =	simm.s32 @!p1 $0x0  }
0x14: {  	s2 =	sld [smem:$0x3F99];
	s0 =	simm.s32 @p1 $0x1  }
0x15: {  	[smem:$0x3FB6] =	sst s0;
	s0 =	simm.s32 @!p2 $0x0  }
0x16: {  	s3 =	sld [smem:$0x3FDB];
	s0 =	simm.s32 @p2 $0x1  }
0x17: {  	s4 =	simm.s32 $0x1BF5;
	[smem:$0x3FB8] =	sst s0  }
0x18: {  	s0 =	sld [smem:$0x3F9B];
	_ =	swait.ge [sflag:s4], $0x0  }
0x19: {  	s7 =	sld [smem:$0x3F9C]  }
0x1a: {  	s8 =	sadd.s32 $0xFFFFE003, lr  }
0x1b: {  	s9 =	sadd.s32 $0xFFFFFEF7, lr;
	s5 =	simm.s32 $0xFFFFFFFF;
	p2 =	slt.u32 s8, $0xFFFFF086  }
0x1c: {  	p1 =	slt.u32 s9, $0xF7A;
	s5 =	simm.s32 @!p2 $0x0  }
0x1d: {  	s5 =	simm.s32 @p1 $0x1;
	p0 =	seq.s32 s7, s2  }
0x1e: {  	s7 =	smul.u32 @!p0 $0xF7A, s2;
	p2 =	seq.s32 @!p0 s5, $0x0  }
0x1f: {  	s9 =	smul.u32 $0xF7A, s1;
	s8 =	simm.s32 @!p0 $0x1BF5;
	p2 =	por !p2, p0  }
0x20: {  	[sflag:s8] =	ssyncset.s32 @!p0 $0xFFFFF086;
	s6 =	sadd.s32 @!p0 s3, s7;
	s7 =	simm.s32 @!p0 $0x108  }
0x21: {  	s3 =	sadd.s32 s3, s9;
	s6 =	sadd.s32 @!p0 $0x88, s6;
	s7 =	simm.s32 @p2 $0x1082  }
0x22: {  	[simem:s7], [sflag:s8] =	dma.local @!p0 [hbm:s6], $0xF7A  }
0x23: {  	s9 =	sor.u32 $0xD0000000, s2;
	s6 =	simm.s32 $0x108;
	_ =	swait.ge @!p0 [sflag:s8], $0x0  }
0x24: {  	s3 =	sadd.s32 $0x88, s3;
	s6 =	simm.s32 @!p1 $0x1082;
	[sflag:s4] =	ssyncset.s32 $0xFFFFF086  }
0x25: {  	[simem:s6], [sflag:s4] =	dma.local [hbm:s3], $0xF7A  }
0x26: {  	[smem:$0x3F9C] =	sst s1;
	(tag) =	ssettag s2;
	_ =	strace s9  }
0x27: {  	s1 =	sld [smem:$0x3FAC]  }
0x28: {  	s2 =	sld [smem:$0x3FAD]  }
0x29: {  	s4 =	sld [smem:$0x3FAF]  }
0x2a: {  	p0 =	seq.s32 s5, $0x0;
	s5 =	sld [smem:$0x3FB0]  }
0x2b: {  	s6 =	sld [smem:$0x3FB1]  }
0x2c: {  	s7 =	sld [smem:$0x3FB2]  }
0x2d: {  	s3 =	simm.s32 $0x108;
	s8 =	sld [smem:$0x3FB3]  }
0x2e: {  	s3 =	simm.s32 @!p0 $0x1082;
	s9 =	sld [smem:$0x3FB4]  }
0x2f: {  	lr =	sadd.s32 s0, s3;
	s0 =	sld [smem:$0x3FAB]  }
0x30: {  	s3 =	sld [smem:$0x3FAE]  }
0x31: {  	[smem:$0x3FB7] =	sst s10  }
0x32: {  	s10 =	sld [smem:$0x3FB5];
	_ =	sdelay $0x3  }
0x33: {  	p0 =	seq.s32 s10, $0x1;
	s10 =	sld [smem:$0x3FB7];
	_ =	sdelay $0x3  }
0x34: {  	[smem:$0x3FB7] =	sst s10  }
0x35: {  	s10 =	sld [smem:$0x3FB6];
	_ =	sdelay $0x3  }
0x36: {  	p1 =	seq.s32 s10, $0x1;
	s10 =	sld [smem:$0x3FB7];
	_ =	sdelay $0x3  }
0x37: {  	[smem:$0x3FB7] =	sst s10  }
0x38: {  	s10 =	sld [smem:$0x3FB8]  }
0x39: {  	_ = 	snop;
	(pc) =	sbr.ind lr, $3  }
0x3a: {  	_ = 	snop  }
0x3b: {  	_ = 	snop  }
0x3c: {  	p2 =	seq.s32 s10, $0x1;
	s10 =	sld [smem:$0x3FB7]  }
0x3d: {  	_ =	shalt  }
0x3e: {  	_ =	shalt  }
0x3f: {  	_ =	shalt  }
0x40: {  	_ =	shalt  }
0x41: {  	_ =	shalt  }
0x42: {  	_ =	shalt  }
0x43: {  	_ =	shalt  }
0x44: {  	_ =	shalt  }
0x45: {  	_ =	shalt  }
0x46: {  	_ =	shalt  }
0x47: {  	_ =	shalt  }
0x48: {  	_ =	shalt  }
0x49: {  	_ =	shalt  }
0x4a: {  	_ =	shalt  }
0x4b: {  	_ =	shalt  }
0x4c: {  	_ =	shalt  }
0x4d: {  	_ =	shalt  }
0x4e: {  	_ =	shalt  }
0x4f: {  	_ =	shalt  }
0x50: {  	_ =	shalt  }
0x51: {  	_ =	shalt  }
0x52: {  	_ =	shalt  }
0x53: {  	_ =	shalt  }
0x54: {  	_ =	shalt  }
0x55: {  	_ =	shalt  }
0x56: {  	_ =	shalt  }
0x57: {  	_ =	shalt  }
0x58: {  	_ =	shalt  }
0x59: {  	_ =	shalt  }
0x5a: {  	_ =	shalt  }
0x5b: {  	_ =	shalt  }
0x5c: {  	_ =	shalt  }
0x5d: {  	_ =	shalt  }
0x5e: {  	_ =	shalt  }
0x5f: {  	_ =	shalt  }
0x60: {  	_ =	shalt  }
0x61: {  	_ =	shalt  }
0x62: {  	_ =	shalt  }
0x63: {  	_ =	shalt  }
0x64: {  	_ =	shalt  }
0x65: {  	_ =	shalt  }
0x66: {  	_ =	shalt  }
0x67: {  	_ =	shalt  }
0x68: {  	_ =	shalt  }
0x69: {  	_ =	shalt  }
0x6a: {  	_ =	shalt  }
0x6b: {  	_ =	shalt  }
0x6c: {  	_ =	shalt  }
0x6d: {  	_ =	shalt  }
0x6e: {  	_ =	shalt  }
0x6f: {  	_ =	shalt  }
0x70: {  	_ =	shalt  }
0x71: {  	_ =	shalt  }
0x72: {  	_ =	shalt  }
0x73: {  	_ =	shalt  }
0x74: {  	_ =	shalt  }
0x75: {  	_ =	shalt  }
0x76: {  	_ =	shalt  }
0x77: {  	_ =	shalt  }
0x78: {  	_ =	shalt  }
0x79: {  	_ =	shalt  }
0x7a: {  	_ =	shalt  }
0x7b: {  	_ =	shalt  }
0x7c: {  	_ =	shalt  }
0x7d: {  	_ =	shalt  }
0x7e: {  	_ =	shalt  }
0x7f: {  	_ =	shalt  }
0x80: {  	_ =	shalt  }
0x81: {  	_ =	shalt  }
0x82: {  	_ =	shalt  }
0x83: {  	_ =	shalt  }
0x84: {  	_ =	shalt  }
0x85: {  	_ =	shalt  }
0x86: {  	_ =	shalt  }
0x87: {  	_ =	shalt  }
.Lfunc_end0:
.L_simem_size_0:
called_computation.1_lowered:
.L_overlay_start_0:
0x88: {  	s2 =	sld [smem:$0x3FD9]  }
0x89: {  	s3 =	sld [smem:$0x3FFE];
	_ =	sdelay $0x1  }
0x8a: {  	s1 =	srdreg.scid  }
0x8b: {  	s0 =	sand.u32 $0x1, s1  }
0x8c: {  	s17 =	sshll.u32 s0, $0xA;
	s2 =	sadd.s32 s3, s2  }
0x8d: {  	s2 =	sadd.s32 s2, s17  }
0x8e: {  	[smem:$0x3FC3] =	sst s2  }
0x8f: {  	_ = 	snop  }
0x90: {  	s2 =	sld [smem:$0x3FD0];
	(tm) =	ssettm $0x1  }
0x91: {  	s18 =	sld [smem:$0x3FFB];
	_ =	sdelay $0x3  }
0x92: {  	_ =	strace s18  }
0x93: {  	s3 =	sld [smem:$0x3FFC];
	_ =	sdelay $0x3  }
0x94: {  	_ =	strace s3  }
0x95: {  	s3 =	sld [smem:$0x3FFD];
	_ =	sdelay $0x3  }
0x96: {  	_ =	strace s3  }
0x97: {  	_ =	strace $0x8FFFFFFF  }
0x98: {  	s19 =	sld [smem:$0x3FDB];
	_ =	sdelay $0x1  }
0x99: {  	s4 =	simm.s32 $_scs_section_size  }
0x9a: {  	s5 =	simm.s32 $_size__tile_overlayer_lowered;
	s6 =	simm.s32 $_tile_overlayer_lowered  }
0x9b: {  	s22 =	simm.s32 $0x1BFF;
	s21 =	sshll.u32 s6, $0x1;
	s3 =	sadd.s32 s4, s19  }
0x9c: {  	s7 =	simm.s32 $0x0;
	s20 =	sshll.u32 s5, $0x1;
	s5 =	sadd.s32 s21, s3  }
0x9d: {  	[timem:s7], [sflag:s22] =	dma.local [hbm:s5], s20  }
0x9e: {  	_ =	swait.ge [sflag:s22], s20  }
0x9f: {  	s4 =	ssub.s32 $0x0, s20;
	[sflag:s22] =	ssyncset.done $0x0  }
0xa0: {  	[sflag:s22] =	ssyncadd.s32 s4;
	_ =	sdelay $0x1  }
0xa1: {  	s23 =	simm.s32 $0x1B8B  }
0xa2: {  	_ =	swait.ge [sflag:s23], $0x1  }
0xa3: {  	[sflag:s23] =	ssyncset.done $0x0  }
0xa4: {  	s25 =	simm.s32 $0x1B8E;
	s24 =	sld [smem:$0x3FFE];
	[sflag:s23] =	ssyncadd.s32 $0xFFFFFFFF  }
0xa5: {  	s26 =	simm.s32 $execute0_lowered;
	[smem:$0x3FD2] =	sst s25  }
0xa6: {  	s5 =	sshll.u32 s26, $0x1;
	_ =	strace $0x80000049;
	[dreg:$0x1] =	wrdreg $0xFFFFFFFF  }
0xa7: {  	s28 =	simm.s32 $_size_execute0_lowered;
	s3 =	sadd.s32 s3, s5;
	[dreg:$0x0] =	wrdreg $0x0  }
0xa8: {  	s5 =	sshll.u32 s28, $0x1;
	[dreg:$0x2] =	wrdreg s3  }
0xa9: {  	[dreg:$0x3] =	wrdreg s5  }
0xaa: {  	[dreg:$0x4] =	wrdreg $0xC0  }
0xab: {  	_ =	task [dreg:s7], $0x5FFFF  }
0xac: {  	[dreg:$0x1] =	wrdreg $0xFFFFFFFF  }
0xad: {  	[dreg:$0x0] =	wrdreg $0x60  }
0xae: {  	[dreg:$0x2] =	wrdreg s2  }
0xaf: {  	[dreg:$0x3] =	wrdreg s24  }
0xb0: {  	[dreg:$0x4] =	wrdreg $0xC4000  }
0xb1: {  	[dreg:$0x5] =	wrdreg $0x9  }
0xb2: {  	_ =	task.clear_ibuf [dreg:s7], $0x6FFFF;
	_ =	strace $0x90000049  }
0xb3: {  	s29 =	simm.s32 $0x9;
	_ =	strace $0x8000004B  }
0xb4: {  	_ =	swait.ge [sflag:s29], $0x1  }
0xb5: {  	[sflag:s29] =	ssyncadd.s32 $0xFFFFFFFF  }
0xb6: {  	_ =	strace $0x9000004B  }
0xb7: {  	_ =	sfence  }
0xb8: {  	s30 =	sld [smem:$0x0];
	_ =	sdelay $0x2  }
0xb9: {  	s31 =	sshll.u32 s1, $0xD;
	s1 =	sshrl.u32 s1, $0x2  }
0xba: {  	s3 =	sand.u32 $0x4000, s31;
	s1 =	sadd.s32 s1, s30  }
0xbb: {  	s0 =	sor.u32 s3, s0;
	s1 =	sshll.u32 s1, $0x11  }
0xbc: {  	s0 =	sor.u32 s1, s0  }
0xbd: {  	s0 =	sadd.s32 $0x8F2B, s0  }
0xbe: {  	[sflag:s0] =	ssyncadd.remote.s32 $0x1  }
0xbf: {  	_ =	sfence.sel $0xFFFF  }
0xc0: {  	[dreg:$0x0] =	wrdreg $0xFFFFFFFF;
	(pc) =	sbr.abs _section_cstart, $3  }
0xc1: {  	[dreg:$0x1] =	wrdreg $0xFFFFFFFF  }
0xc2: {  	_ =	task.clear_ibuf [dreg:s7], $0x2FFFF;
	_ =	strace $0x9FFFFFFF  }
0xc3: {  	(tm) =	ssettm $0x7FFFFFFF  }
tec
execute0_lowered:
.L_overlay_start_1:
0x0: {  	(tag) =	ssettag $0x1  }
0x1: {  	s1 =	rddreg [dreg:$0x0]  }
0x2: {  	s0 =	rddreg [dreg:$0x1]  }
0x3: {  	s2 =	rddreg [dreg:$0x2]  }
0x4: {  	s3 =	srdreg.scid;
	s4 =	simm.s32 $0x0;
	s11 =	stileid.u32  }
0x5: {  	s29 =	simm.s32 $0x180;
	s30 =	simm.s32 $0x4400;
	s8 =	smul.u32 $0x1F400, s11  }
0x6: {  	s31 =	simm.s32 $0x200;
	s3 =	sand.u32 $0x1, s3;
	s21 =	smul.u32 $0x2710, s11  }
0x7: {  	[smem:$0x7FF] =	sst s4;
	s5 =	sadd.s32 $0x1400, s0;
	s23 =	smul.u32 $0x7D000, s11  }
0x8: {  	s14 =	sadd.s32 $0x15000, s0;
	p0 =	sgt.u32 s11, $0x9;
	s7 =	smul.u32 $0x138800, s3  }
0x9: {  	s6 =	sshll.u32 s3, $0x4;
	_ =	strace $0x8000004A;
	[dreg:$0x4] =	wrdreg s14  }
0xa: {  	s15 =	ssub.s32 $0x2, s3;
	s3 =	smul.u32 $0x27100, s3;
	s9 =	sor.u32 s11, s6  }
0xb: {  	s6 =	sadd.s32 $0xB200, s0;
	s16 =	sshrl.u32 s15, $0x1;
	s25 =	sshrl.u32 s23, $0x2  }
0xc: {  	s11 =	simm.s32 $0x10;
	s7 =	sadd.s32 s8, s7;
	s3 =	sadd.s32 s21, s3  }
0xd: {  	s13 =	smul.u32 $0x2710, s9;
	s7 =	sshrl.u32 s7, $0x3;
	s24 =	sadd.s32 $0x280, s3  }
0xe: {  	s26 =	sadd.s32 $0x200, s3;
	s3 =	sadd.s32 $0x180, s3;
	s0 =	sadd.s32 s7, s0  }
0xf: {  	s8 =	sshrl.u32 s13, $0x3;
	s7 =	ssub.s32 s15, s16;
	s28 =	sshrl.u32 s26, $0x3  }
0x10: {  	[dreg:$0xe] =	wrdreg s3;
	s26 =	simm.s32 $0x80;
	s3 =	simm.s32 $0x1  }
0x11: {  	s17 =	sadd.s32 s5, s8;
	s18 =	sadd.s32 $0x10, s8;
	s10 =	sadd.s32 s6, s8  }
0x12: {  	s20 =	sadd.s32 $0x20, s8;
	s8 =	sadd.s32 $0x4E0, s8;
	s7 =	smax.u32 s7, $0x1  }
0x13: {  	s21 =	sadd.s32 s28, s5;
	s23 =	sadd.s32 $0x15400, s0;
	[dreg:$0x5] =	wrdreg s17  }
0x14: {  	s0 =	simm.s32 $0x280;
	[dreg:$0x6] =	wrdreg s10;
	s19 =	sadd.s32 s5, s18  }
0x15: {  	s9 =	sadd.s32 s6, s18;
	s12 =	sadd.s32 s5, s20;
	[dreg:$0xd] =	wrdreg s7  }
0x16: {  	s22 =	sadd.s32 s5, s8;
	s8 =	sadd.s32 s6, s8;
	[dreg:$0x7] =	wrdreg s19  }
0x17: {  	s7 =	sshrl.u32 s24, $0x3;
	s17 =	sadd.s32 s25, s2;
	[dreg:$0x8] =	wrdreg s9  }
.Ltmp0:
0x18: {  	s24 =	simm.s32 $0x400;
	[dreg:$0x9] =	wrdreg s12;
	(pc) =	sbr.rel .LBB2_1-.Ltmp0, $4  }
0x19: {  	s25 =	simm.s32 $0x7;
	s10 =	simm.s32 $0x380;
	[dreg:$0xb] =	wrdreg s22  }
0x1a: {  	s9 =	sadd.s32 s6, s20;
	[dreg:$0xc] =	wrdreg s8;
	s18 =	sadd.s32 s7, s6  }
0x1b: {  	s19 =	sadd.s32 s7, s5;
	s20 =	sadd.s32 s28, s6;
	s7 =	simm.s32 $0x6  }
0x1c: {  	s8 =	simm.s32 $0x8400;
	s12 =	simm.s32 $0x0;
	[dreg:$0xa] =	wrdreg s9  }
.LBB2_11:
0x1d: {  	[sflag:s25] =	ssyncadd.s32 $0xFFFFEC00  }
.LBB2_12:
0x1e: {  	s12 =	sadd.s32 $0x1, s12;
	s9 =	rddreg [dreg:$0xd]  }
0x1f: {  	p1 =	sne.s32 s12, s9  }
.Ltmp1:
0x20: {  	_ = 	snop;
	(pc) =	sbr.rel @!p1 .LBB2_13-.Ltmp1, $1  }
0x21: {  	_ =	sdelay $0x3  }
.LBB2_1:
.Ltmp2:
0x22: {  	(pc) =	sbr.rel @p0 .LBB2_5-.Ltmp2, $1  }
0x23: {  	_ =	sdelay $0x3  }
0x24: {  	s13 =	simm.s32 $0x0;
	s9 =	rddreg [dreg:$0x4]  }
0x25: {  	[tilespmem:s24], [sflag:$0x7] =	stream.linear.gather [hbm4b:s9+s13], $0x1400, $0x38;
	[tilespmem:$0x1FC80] =	vst v63  }
0x26: {  	_ =	swait.ge [sflag:s25], $0x1400  }
0x27: {  	[sflag:s25] =	ssyncset.done $0x0  }
0x28: {  	s28 =	sadd.s32 $0x0, s17;
	[sflag:s25] =	ssyncadd.s32 $0xFFFFEC00  }
0x29: {  	[spmem:s28] =	stream.linear.scatter [tilespmem:s24], [sflag:$0x7], $0x1400, $0x38;
	[tilespmem:$0x1FC80] =	vst v63  }
0x2a: {  	s13 =	simm.s32 $0x5000;
	_ =	swait.ge [sflag:s25], $0x1400  }
.LBB2_3:
0x2b: {  	s22 =	sshra.s32 s13, $0x2;
	[sflag:s25] =	ssyncset.done $0x0;
	p1 =	sne.s32 s13, $0x78000  }
.Ltmp3:
0x2c: {  	s22 =	sadd.s32 s22, s17;
	[sflag:s25] =	ssyncadd.s32 $0xFFFFEC00;
	(pc) =	sbr.rel @p1 .LBB2_3-.Ltmp3, $3  }
0x2d: {  	[spmem:s22] =	stream.linear.scatter [tilespmem:s24], [sflag:$0x7], $0x1400, $0x38;
	[tilespmem:$0x1FC80] =	vst v63  }
0x2e: {  	s13 =	sadd.s32 $0x5000, s13;
	_ =	sdelay $0x1  }
0x2f: {  	_ =	swait.ge [sflag:s25], $0x1400  }
0x30: {  	[sflag:s25] =	ssyncset.done $0x0  }
0x31: {  	[sflag:s25] =	ssyncadd.s32 $0xFFFFEC00  }
.LBB2_5:
0x32: {  	[bflag:$0x0] =	sbarrier.arrive $0xFFFF  }
0x33: {  	s13 =	simm.s32 $0x0;
	s9 =	rddreg [dreg:$0x5]  }
0x34: {  	[tilespmem:s13], [sflag:$0x7] =	stream.linear.gather [hbm4b:s9+s13], $0x80, $0x38;
	[tilespmem:$0x1FC80] =	vst v63  }
0x35: {  	_ =	swait.ge [sflag:s25], $0x80  }
0x36: {  	[sflag:s25] =	ssyncset.done $0x0  }
0x37: {  	s14 =	rddreg [dreg:$0x6];
	[sflag:s25] =	ssyncadd.s32 $0xFFFFFF80  }
0x38: {  	[tilespmem:s26], [sflag:$0x7] =	stream.linear.gather [hbm4b:s14+s13], $0x80, $0x38;
	[tilespmem:$0x1FC80] =	vst v63  }
0x39: {  	_ =	swait.ge [sflag:s25], $0x80  }
0x3a: {  	[sflag:s25] =	ssyncset.done $0x0  }
0x3b: {  	s14 =	simm.s32 $0x100;
	s15 =	rddreg [dreg:$0x7];
	[sflag:s25] =	ssyncadd.s32 $0xFFFFFF80  }
0x3c: {  	[tilespmem:s14], [sflag:$0x7] =	stream.linear.gather [hbm4b:s15+s13], $0x80, $0x38;
	[tilespmem:$0x1FC80] =	vst v63  }
0x3d: {  	_ =	swait.ge [sflag:s25], $0x80  }
0x3e: {  	[sflag:s25] =	ssyncset.done $0x0  }
0x3f: {  	s16 =	rddreg [dreg:$0x8];
	[sflag:s25] =	ssyncadd.s32 $0xFFFFFF80  }
0x40: {  	[tilespmem:s29], [sflag:$0x7] =	stream.linear.gather [hbm4b:s16+s13], $0x80, $0x38;
	[tilespmem:$0x1FC80] =	vst v63  }
0x41: {  	_ =	swait.ge [sflag:s25], $0x80  }
0x42: {  	[sflag:s25] =	ssyncset.done $0x0  }
0x43: {  	[sflag:s25] =	ssyncadd.s32 $0xFFFFFF80  }
0x44: {  	[tilespmem:s24], [sflag:$0x1] =	stream.indirect.gather [hbm4b:s1+s26], $0x80, s13, s26, $0xb8;
	[tilespmem:$0x1FC80] =	vst v63  }
0x45: {  	s22 =	rddreg [dreg:$0x9]  }
0x46: {  	[tilespmem:s30], [sflag:$0x2] =	stream.indirect.gather [hbm4b:s1+s26], $0x80, s14, s26, $0xb8;
	[tilespmem:$0x1FC80] =	vst v63  }
0x47: {  	s28 =	rddreg [dreg:$0xa]  }
0x48: {  	[tilespmem:s31], [sflag:$0x6] =	stream.linear.gather [hbm4b:s22+s13], $0x80, $0x38;
	[tilespmem:$0x1FC80] =	vst v63  }
0x49: {  	s22 =	rddreg [dreg:$0xe]  }
0x4a: {  	[tilespmem:s0], [sflag:$0x6] =	stream.linear.gather [hbm4b:s28+s13], $0x80, $0x38;
	[tilespmem:$0x1FC80] =	vst v63  }
.LBB2_6:
0x4b: {  	_ =	swait.ge [sflag:s3], $0x4000  }
0x4c: {  	[sflag:s3] =	ssyncset.done $0x0  }
0x4d: {  	[sflag:s3] =	ssyncadd.s32 $0xFFFFC000  }
0x4e: {  	_ =	swait.ge [sflag:s7], $0x80  }
0x4f: {  	[sflag:s7] =	ssyncset.done $0x0  }
0x50: {  	[sflag:s7] =	ssyncadd.s32 $0xFFFFFF80  }
0x51: {  	_ =	swait.ge [sflag:s7], $0x80  }
0x52: {  	[sflag:s7] =	ssyncset.done $0x0  }
0x53: {  	[sflag:s7] =	ssyncadd.s32 $0xFFFFFF80  }
0x54: {  	[tilespmem:s8], [sflag:$0x3] =	stream.indirect.gather [hbm4b:s1+s26], $0x80, s31, s26, $0xb8;
	[tilespmem:$0x1FC80] =	vst v63  }
0x55: {  	_ = 	snop  }
0x56: {  	[spmem:s2] =	stream.indirect.scatter.add.f32 [tilespmem:s24], [sflag:$0x7], $0x80, s26, s26, $0xb8;
	[tilespmem:$0x1FC80] =	vst v63  }
0x57: {  	_ =	swait.ge [sflag:s25], $0x4000  }
0x58: {  	p1 =	seq.s32 s13, $0x4B0;
	[sflag:s25] =	ssyncset.done $0x0  }
0x59: {  	s15 =	simm.s32 @p1 $0x2;
	[sflag:s25] =	ssyncadd.s32 $0xFFFFC000  }
0x5a: {  	_ =	swait.ge @p1 [sflag:s15], $0x4000  }
0x5b: {  	s16 =	sshrl.u32 @!p1 s22, $0x3;
	[sflag:s15] =	ssyncset.done @p1 $0x0  }
0x5c: {  	s28 =	simm.s32 @!p1 $0x0;
	[sflag:s15] =	ssyncadd.s32 @p1 $0xFFFFC000;
	s15 =	sadd.s32 @!p1 s5, s16  }
0x5d: {  	[tilespmem:s28], [sflag:$0x4] =	stream.linear.gather @!p1 [hbm4b:s15+s28], $0x80, $0x38;
	[tilespmem:$0x1FC80] =	vst v63  }
0x5e: {  	s15 =	sadd.s32 @!p1 s6, s16;
	s16 =	simm.s32 @!p1 $0x80  }
0x5f: {  	[tilespmem:s16], [sflag:$0x4] =	stream.linear.gather @!p1 [hbm4b:s15+s28], $0x80, $0x38;
	[tilespmem:$0x1FC80] =	vst v63  }
0x60: {  	s15 =	simm.s32 @!p1 $0x2  }
0x61: {  	_ =	swait.ge @!p1 [sflag:s15], $0x4000  }
0x62: {  	[sflag:s15] =	ssyncset.done @!p1 $0x0  }
0x63: {  	[sflag:s15] =	ssyncadd.s32 @!p1 $0xFFFFC000;
	s15 =	simm.s32 @!p1 $0x4  }
0x64: {  	_ =	swait.ge @!p1 [sflag:s15], $0x80  }
0x65: {  	[sflag:s15] =	ssyncset.done @!p1 $0x0  }
0x66: {  	[sflag:s15] =	ssyncadd.s32 @!p1 $0xFFFFFF80  }
0x67: {  	_ =	swait.ge @!p1 [sflag:s15], $0x80  }
0x68: {  	[sflag:s15] =	ssyncset.done @!p1 $0x0  }
0x69: {  	[sflag:s15] =	ssyncadd.s32 @!p1 $0xFFFFFF80;
	s15 =	simm.s32 @!p1 $0x400  }
0x6a: {  	[tilespmem:s15], [sflag:$0x1] =	stream.indirect.gather @!p1 [hbm4b:s1+s16], $0x80, s28, s16, $0xb8;
	[tilespmem:$0x1FC80] =	vst v63  }
0x6b: {  	_ = 	snop  }
0x6c: {  	[spmem:s2] =	stream.indirect.scatter.add.f32 [tilespmem:s30], [sflag:$0x7], $0x80, s29, s26, $0xb8;
	[tilespmem:$0x1FC80] =	vst v63  }
0x6d: {  	_ =	swait.ge [sflag:s25], $0x4000  }
0x6e: {  	[sflag:s25] =	ssyncset.done $0x0  }
0x6f: {  	s15 =	simm.s32 @p1 $0x3;
	[sflag:s25] =	ssyncadd.s32 $0xFFFFC000  }
0x70: {  	_ =	swait.ge @p1 [sflag:s15], $0x4000  }
0x71: {  	[sflag:s15] =	ssyncset.done @p1 $0x0  }
0x72: {  	s14 =	simm.s32 @!p1 $0x100;
	[sflag:s15] =	ssyncadd.s32 @p1 $0xFFFFC000;
	s15 =	sadd.s32 @!p1 s13, s21  }
0x73: {  	[tilespmem:s14], [sflag:$0x5] =	stream.linear.gather @!p1 [hbm4b:s15+s28], $0x80, $0x38;
	[tilespmem:$0x1FC80] =	vst v63  }
0x74: {  	s9 =	simm.s32 @!p1 $0x180;
	s15 =	sadd.s32 @!p1 s13, s20  }
0x75: {  	[tilespmem:s9], [sflag:$0x5] =	stream.linear.gather @!p1 [hbm4b:s15+s28], $0x80, $0x38;
	[tilespmem:$0x1FC80] =	vst v63  }
0x76: {  	s9 =	simm.s32 @!p1 $0x3  }
0x77: {  	_ =	swait.ge @!p1 [sflag:s9], $0x4000  }
0x78: {  	[sflag:s9] =	ssyncset.done @!p1 $0x0  }
0x79: {  	[sflag:s9] =	ssyncadd.s32 @!p1 $0xFFFFC000;
	s9 =	simm.s32 @!p1 $0x5  }
0x7a: {  	_ =	swait.ge @!p1 [sflag:s9], $0x80  }
0x7b: {  	[sflag:s9] =	ssyncset.done @!p1 $0x0  }
0x7c: {  	[sflag:s9] =	ssyncadd.s32 @!p1 $0xFFFFFF80  }
0x7d: {  	_ =	swait.ge @!p1 [sflag:s9], $0x80  }
0x7e: {  	[sflag:s9] =	ssyncset.done @!p1 $0x0  }
0x7f: {  	[sflag:s9] =	ssyncadd.s32 @!p1 $0xFFFFFF80;
	s9 =	simm.s32 @!p1 $0x4400  }
0x80: {  	[tilespmem:s9], [sflag:$0x2] =	stream.indirect.gather @!p1 [hbm4b:s1+s16], $0x80, s14, s16, $0xb8;
	[tilespmem:$0x1FC80] =	vst v63  }
.Ltmp4:
0x81: {  	_ = 	snop;
	(pc) =	sbr.rel @p1 .LBB2_8-.Ltmp4, $4  }
0x82: {  	[spmem:s2] =	stream.indirect.scatter.add.f32 [tilespmem:s8], [sflag:$0x7], $0x80, s0, s26, $0xb8;
	[tilespmem:$0x1FC80] =	vst v63  }
0x83: {  	_ =	swait.ge [sflag:s25], $0x4000  }
0x84: {  	[sflag:s25] =	ssyncset.done $0x0  }
0x85: {  	[sflag:s25] =	ssyncadd.s32 $0xFFFFC000  }
.Ltmp5:
0x86: {  	(pc) =	sbr.rel .LBB2_6-.Ltmp5, $4  }
0x87: {  	s9 =	sadd.s32 s13, s19  }
0x88: {  	[tilespmem:s31], [sflag:$0x6] =	stream.linear.gather [hbm4b:s9+s4], $0x80, $0x38;
	[tilespmem:$0x1FC80] =	vst v63  }
0x89: {  	s28 =	sadd.s32 s13, s18;
	s13 =	sadd.s32 $0x30, s13;
	s22 =	sadd.s32 $0x180, s22  }
0x8a: {  	[tilespmem:s0], [sflag:$0x6] =	stream.linear.gather [hbm4b:s28+s4], $0x80, $0x38;
	[tilespmem:$0x1FC80] =	vst v63  }
.LBB2_8:
0x8b: {  	s9 =	simm.s32 $0x0;
	s13 =	rddreg [dreg:$0xb];
	s14 =	simm.s32 $0x300  }
0x8c: {  	[tilespmem:s14], [sflag:$0x7] =	stream.linear.gather [hbm4b:s13+s9], $0x10, $0x38;
	[tilespmem:$0x1FC80] =	vst v63  }
0x8d: {  	_ =	swait.ge [sflag:s25], $0x10  }
0x8e: {  	[sflag:s25] =	ssyncset.done $0x0  }
0x8f: {  	s28 =	rddreg [dreg:$0xc];
	[sflag:s25] =	ssyncadd.s32 $0xFFFFFFF0  }
0x90: {  	[tilespmem:s10], [sflag:$0x7] =	stream.linear.gather [hbm4b:s28+s9], $0x10, $0x38;
	[tilespmem:$0x1FC80] =	vst v63  }
0x91: {  	_ =	swait.ge [sflag:s25], $0x10  }
0x92: {  	[sflag:s25] =	ssyncset.done $0x0  }
0x93: {  	[sflag:s25] =	ssyncadd.s32 $0xFFFFFFF0  }
0x94: {  	[tilespmem:s24], [sflag:$0x1] =	stream.indirect.gather [hbm4b:s1+s11], $0x80, s14, s11, $0xb8;
	[tilespmem:$0x1FC80] =	vst v63  }
0x95: {  	_ =	swait.ge [sflag:s3], $0x800  }
0x96: {  	[sflag:s3] =	ssyncset.done $0x0  }
0x97: {  	[sflag:s3] =	ssyncadd.s32 $0xFFFFF800  }
0x98: {  	[spmem:s2] =	stream.indirect.scatter.add.f32 [tilespmem:s24], [sflag:$0x7], $0x80, s10, s11, $0xb8;
	[tilespmem:$0x1FC80] =	vst v63  }
.Ltmp6:
0x99: {  	_ =	swait.ge [sflag:s25], $0x800;
	(pc) =	sbr.rel @p0 .LBB2_12-.Ltmp6, $3  }
0x9a: {  	[sflag:s25] =	ssyncset.done $0x0  }
0x9b: {  	[sflag:s25] =	ssyncadd.s32 $0xFFFFF800  }
0x9c: {  	[bflag:$0x0] =	sbarrier.arrive $0xFFFF;
	_ =	sdelay $0x1  }
0x9d: {  	[tilespmem:s24], [sflag:$0x7] =	stream.linear.gather [spmem:s17], $0x1400, $0x38;
	[tilespmem:$0x1FC80] =	vst v63  }
0x9e: {  	_ =	swait.ge [sflag:s25], $0x1400  }
0x9f: {  	[sflag:s25] =	ssyncset.done $0x0  }
0xa0: {  	s9 =	sadd.s32 $0x0, s23;
	[sflag:s25] =	ssyncadd.s32 $0xFFFFEC00  }
0xa1: {  	[hbm4b:s9+s4] =	stream.linear.scatter [tilespmem:s24], [sflag:$0x7], $0x1400, $0x38;
	[tilespmem:$0x1FC80] =	vst v63  }
0xa2: {  	_ =	swait.ge [sflag:s25], $0x1400  }
0xa3: {  	s13 =	simm.s32 $0x280;
	s22 =	smov.u32 s17;
	[sflag:s25] =	ssyncset.done $0x0  }
.LBB2_10:
0xa4: {  	p1 =	sne.s32 s13, $0x3C00;
	[sflag:s25] =	ssyncadd.s32 $0xFFFFEC00;
	s22 =	sadd.s32 $0x1400, s22  }
0xa5: {  	[tilespmem:s24], [sflag:$0x7] =	stream.linear.gather [spmem:s22], $0x1400, $0x38;
	[tilespmem:$0x1FC80] =	vst v63  }
0xa6: {  	s9 =	smov.u32 s13;
	s13 =	sadd.s32 $0x280, s13;
	_ =	swait.ge [sflag:s25], $0x1400  }
.Ltmp7:
0xa7: {  	[sflag:s25] =	ssyncset.done $0x0;
	(pc) =	sbr.rel @p1 .LBB2_10-.Ltmp7, $4  }
0xa8: {  	s9 =	sadd.s32 s9, s23;
	[sflag:s25] =	ssyncadd.s32 $0xFFFFEC00  }
0xa9: {  	[hbm4b:s9+s4] =	stream.linear.scatter [tilespmem:s24], [sflag:$0x7], $0x1400, $0x38;
	[tilespmem:$0x1FC80] =	vst v63  }
0xaa: {  	_ =	swait.ge [sflag:s25], $0x1400  }
0xab: {  	[sflag:s25] =	ssyncset.done $0x0  }
.Ltmp8:
0xac: {  	_ = 	snop;
	(pc) =	sbr.rel .LBB2_11-.Ltmp8, $1  }
0xad: {  	_ =	sdelay $0x3  }
.LBB2_13:
0xae: {  	_ =	sfence.sel $0x180000  }
0xaf: {  	[bflag:$0x0] =	sbarrier.arrive $0xFFFF  }
0xb0: {  	_ =	strace $0x9000004A  }
0xb1: {  	s0 =	stileid.u32;
	[bflag:$0x2] =	sbarrier.arrive $0xFFFF  }
0xb2: {  	p0 =	sne.s32 s0, $0x0;
	s0 =	rddreg [dreg:$0x3]  }
0xb3: {  	s0 =	sadd.s32 @!p0 $0x100000, s0  }
0xb4: {  	[sflag:s0] =	ssyncadd.tile.s32 @!p0 $0x1;
	_ =	shalt  }
.Lfunc_end2:
_tile_overlayer_lowered:
.L_overlay_start_2:
0xb5: {  	(tag) =	ssettag $0x2  }
0xb6: {  	s0 =	rddreg [dreg:$0x0];
	s2 =	stileid.u32  }
0xb7: {  	s1 =	rddreg [dreg:$0x1];
	p0 =	sne.s32 s2, $0x0  }
0xb8: {  	s3 =	rddreg [dreg:$0x2];
	[bflag:$0x3] =	sbarrier.arrive $0xFFFF;
	s2 =	simm.s32 @!p0 $0x1C07  }
0xb9: {  	[timem:s3], [sflag:s2] =	dma.local @!p0 [hbm:s0], s1  }
0xba: {  	s0 =	simm.s32 @!p0 $0x7  }
0xbb: {  	_ =	swait.ge @!p0 [sflag:s0], s1  }
0xbc: {  	s1 =	ssub.s32 @!p0 $0x0, s1;
	[sflag:s0] =	ssyncset.done @!p0 $0x0  }
0xbd: {  	[sflag:s0] =	ssyncadd.s32 @!p0 s1  }
0xbe: {  	[bflag:$0x3] =	sbarrier.arrive $0xFFFF  }
0xbf: {  	_ =	shalt  }

</sc_bundles>
